<compile_context>
chip_gen: v7x
topology: tpu7x:2x2x1
jax: 0.10.2.dev20260603
libtpu: 0.0.44.dev20260713+nightly
codegen_flags: <defaults>
</compile_context>

<pallas_src>
import functools

import jax
import jax.numpy as jnp
from jax import lax
from jax.experimental import pallas as pl
from jax.experimental.pallas import tpu as pltpu
from jax.experimental.pallas import tpu_sc as plsc

KNB = 16
B, C, RN = 8, 128, 2048
NPTS = B * RN
NROWS = NPTS * KNB
EPS = 1e-5
HIGH = lax.Precision.HIGHEST
RB = 256
NSTEP = NPTS // RB
KROW = 512


def _tables_body(fe_ref, q_ref, w2f_ref, b2_ref, w1_ref, ww_ref,
                 g_ref, pq_ref):
    fe = fe_ref[0]
    q = q_ref[0]
    g = lax.dot_general(fe, w2f_ref[...], (((0,), (1,)), ((), ())),
                        precision=HIGH)
    g_ref[0] = g + b2_ref[...]
    p = lax.dot_general(q, w1_ref[...], (((0,), (1,)), ((), ())),
                        precision=HIGH)
    pw = lax.dot_general(q, ww_ref[...], (((0,), (1,)), ((), ())),
                         precision=HIGH)
    pad = jnp.zeros((RN, 48), jnp.float32)
    pq_ref[0] = jnp.concatenate([p, pw, pad], axis=1)


def _make_tables(F_E, Q_prime, W2F, b2, W1, Ww):
    return pl.pallas_call(
        _tables_body,
        grid=(B,),
        in_specs=[
            pl.BlockSpec((1, C, RN), lambda b: (b, 0, 0)),
            pl.BlockSpec((1, 3, RN), lambda b: (b, 0, 0)),
            pl.BlockSpec((C, C), lambda b: (0, 0)),
            pl.BlockSpec((1, C), lambda b: (0, 0)),
            pl.BlockSpec((64, 3), lambda b: (0, 0)),
            pl.BlockSpec((KNB, 3), lambda b: (0, 0)),
        ],
        out_specs=[
            pl.BlockSpec((1, RN, C), lambda b: (b, 0, 0)),
            pl.BlockSpec((1, RN, C), lambda b: (b, 0, 0)),
        ],
        out_shape=[
            jax.ShapeDtypeStruct((B, RN, C), jnp.float32),
            jax.ShapeDtypeStruct((B, RN, C), jnp.float32),
        ],
    )(F_E, Q_prime, W2F, b2, W1, Ww)


def _knn_body(q_ref, idx_ref):
    b = pl.program_id(0)
    j = pl.program_id(1)
    q = q_ref[0]
    sq = jnp.sum(q * q, axis=0, keepdims=True)
    qb = q_ref[0, :, pl.ds(j * KROW, KROW)]
    scores = lax.dot_general(qb, q, (((0,), (0,)), ((), ())))
    sqb = jnp.reshape(jnp.sum(qb * qb, axis=0), (KROW, 1))
    d = (sqb - 2.0 * scores) + sq
    iota = lax.broadcasted_iota(jnp.int32, (KROW, RN), 1).astype(jnp.float32)
    big = jnp.float32(RN)
    cols = []
    for _ in range(KNB):
        m = jnp.min(d, axis=1, keepdims=True)
        sel = jnp.where(d == m, iota, big)
        it = jnp.min(sel, axis=1, keepdims=True)
        d = jnp.where(iota == it, jnp.inf, d)
        cols.append(it.astype(jnp.int32) + b * RN)
    idx_ref[0] = jnp.concatenate(cols, axis=1)


def _knn(Q_prime):
    return pl.pallas_call(
        _knn_body,
        grid=(B, RN // KROW),
        in_specs=[pl.BlockSpec((1, 3, RN), lambda b, j: (b, 0, 0))],
        out_specs=pl.BlockSpec((1, KROW, KNB), lambda b, j: (b, j, 0)),
        out_shape=jax.ShapeDtypeStruct((B, RN, KNB), jnp.int32),
    )(Q_prime)


def _sc_gather(tg, tpq, idx2d):
    NC, NS = 2, 16
    NW = NC * NS
    rows_per_w = idx2d.shape[0] // NW

    @functools.partial(
        pl.kernel,
        mesh=plsc.VectorSubcoreMesh(core_axis_name="c", subcore_axis_name="s"),
        out_type=(
            jax.ShapeDtypeStruct((NROWS, C), jnp.float32),
            jax.ShapeDtypeStruct((NROWS, C), jnp.float32),
        ),
        scratch_types=[
            pltpu.VMEM((128,), jnp.int32),
            pltpu.VMEM((128, C), jnp.float32),
            pltpu.VMEM((128, C), jnp.float32),
            pltpu.SemaphoreType.DMA,
        ],
    )
    def gk(tg_h, tpq_h, idx_h, og_h, opq_h, idx_v, bg, bpq, sem):
        wid = lax.axis_index("s") * NC + lax.axis_index("c")

        def body(c, carry):
            row = wid * rows_per_w + c
            pltpu.sync_copy(idx_h.at[row], idx_v)
            c1 = pltpu.async_copy(tg_h.at[idx_v], bg, sem)
            c2 = pltpu.async_copy(tpq_h.at[idx_v], bpq, sem)
            c1.wait()
            c2.wait()
            out0 = row * 128
            pltpu.sync_copy(bg, og_h.at[pl.ds(out0, 128)])
            pltpu.sync_copy(bpq, opq_h.at[pl.ds(out0, 128)])
            return carry

        lax.fori_loop(0, rows_per_w, body, 0)

    return gk(tg, tpq, idx2d)


def _stats1_body(apq_ref, pqc_ref, b1_ref, bw_ref,
                 s1_ref, s1q_ref, sw_ref, swq_ref):
    @pl.when(pl.program_id(0) == 0)
    def _init():
        s1_ref[...] = jnp.zeros_like(s1_ref)
        s1q_ref[...] = jnp.zeros_like(s1q_ref)
        sw_ref[...] = jnp.zeros_like(sw_ref)
        swq_ref[...] = jnp.zeros_like(swq_ref)

    diff = apq_ref[...] - pqc_ref[...]
    y1 = diff[:, :, 0:64] + b1_ref[...]
    yw = diff[:, :, 64:80] + bw_ref[...]
    s1_ref[...] += jnp.sum(jnp.sum(y1, axis=0), axis=0, keepdims=True)
    s1q_ref[...] += jnp.sum(jnp.sum(y1 * y1, axis=0), axis=0, keepdims=True)
    sw_ref[...] += jnp.sum(jnp.sum(yw, axis=0), axis=0, keepdims=True)
    swq_ref[...] += jnp.sum(jnp.sum(yw * yw, axis=0), axis=0, keepdims=True)


def _stats1(APQ, PQc, b1r, bwr):
    return pl.pallas_call(
        _stats1_body,
        grid=(NSTEP,),
        in_specs=[
            pl.BlockSpec((RB, KNB, C), lambda i: (i, 0, 0)),
            pl.BlockSpec((RB, 1, C), lambda i: (i, 0, 0)),
            pl.BlockSpec((1, 1, 64), lambda i: (0, 0, 0)),
            pl.BlockSpec((1, 1, KNB), lambda i: (0, 0, 0)),
        ],
        out_specs=[
            pl.BlockSpec((1, 64), lambda i: (0, 0)),
            pl.BlockSpec((1, 64), lambda i: (0, 0)),
            pl.BlockSpec((1, KNB), lambda i: (0, 0)),
            pl.BlockSpec((1, KNB), lambda i: (0, 0)),
        ],
        out_shape=[
            jax.ShapeDtypeStruct((1, 64), jnp.float32),
            jax.ShapeDtypeStruct((1, 64), jnp.float32),
            jax.ShapeDtypeStruct((1, KNB), jnp.float32),
            jax.ShapeDtypeStruct((1, KNB), jnp.float32),
        ],
    )(APQ, PQc, b1r, bwr)


def _bn1_consts(s1, s1q, g1_ref, bt1_ref):
    n = jnp.float32(NROWS)
    m1 = s1 / n
    v1 = s1q / n - m1 * m1
    sc1 = g1_ref[...] * lax.rsqrt(v1 + EPS)
    sh1 = bt1_ref[...] - m1 * sc1
    return sc1, sh1


def _stats2_body(ag_ref, apq_ref, pqc_ref, b1_ref, g1_ref, bt1_ref,
                 s1_ref, s1q_ref, w2e_ref, s2_ref, s2q_ref):
    @pl.when(pl.program_id(0) == 0)
    def _init():
        s2_ref[...] = jnp.zeros_like(s2_ref)
        s2q_ref[...] = jnp.zeros_like(s2q_ref)

    sc1, sh1 = _bn1_consts(s1_ref[...][None], s1q_ref[...][None],
                           g1_ref, bt1_ref)
    diff = apq_ref[...] - pqc_ref[...]
    y1 = diff[:, :, 0:64] + b1_ref[...]
    enc1 = jnp.maximum(y1 * sc1 + sh1, 0.0)
    y2 = ag_ref[...] + lax.dot_general(
        enc1, w2e_ref[...], (((2,), (1,)), ((), ())), precision=HIGH)
    s2_ref[...] += jnp.sum(jnp.sum(y2, axis=0), axis=0, keepdims=True)
    s2q_ref[...] += jnp.sum(jnp.sum(y2 * y2, axis=0), axis=0, keepdims=True)


def _stats2(AG, APQ, PQc, b1r, g1r, bt1r, s1, s1q, W2E):
    return pl.pallas_call(
        _stats2_body,
        grid=(NSTEP,),
        in_specs=[
            pl.BlockSpec((RB, KNB, C), lambda i: (i, 0, 0)),
            pl.BlockSpec((RB, KNB, C), lambda i: (i, 0, 0)),
            pl.BlockSpec((RB, 1, C), lambda i: (i, 0, 0)),
            pl.BlockSpec((1, 1, 64), lambda i: (0, 0, 0)),
            pl.BlockSpec((1, 1, 64), lambda i: (0, 0, 0)),
            pl.BlockSpec((1, 1, 64), lambda i: (0, 0, 0)),
            pl.BlockSpec((1, 64), lambda i: (0, 0)),
            pl.BlockSpec((1, 64), lambda i: (0, 0)),
            pl.BlockSpec((C, 64), lambda i: (0, 0)),
        ],
        out_specs=[
            pl.BlockSpec((1, C), lambda i: (0, 0)),
            pl.BlockSpec((1, C), lambda i: (0, 0)),
        ],
        out_shape=[
            jax.ShapeDtypeStruct((1, C), jnp.float32),
            jax.ShapeDtypeStruct((1, C), jnp.float32),
        ],
    )(AG, APQ, PQc, b1r, g1r, bt1r, s1, s1q, W2E)


def _final_body(ag_ref, apq_ref, pqc_ref, fe_ref,
                b1_ref, g1_ref, bt1_ref, bw_ref, gw_ref, btw_ref,
                g2_ref, bt2_ref, s1_ref, s1q_ref, sw_ref, swq_ref,
                s2_ref, s2q_ref, w2e_ref, out_ref):
    n = jnp.float32(NROWS)
    sc1, sh1 = _bn1_consts(s1_ref[...][None], s1q_ref[...][None],
                           g1_ref, bt1_ref)
    diff = apq_ref[...] - pqc_ref[...]
    y1 = diff[:, :, 0:64] + b1_ref[...]
    enc1 = jnp.maximum(y1 * sc1 + sh1, 0.0)
    y2 = ag_ref[...] + lax.dot_general(
        enc1, w2e_ref[...], (((2,), (1,)), ((), ())), precision=HIGH)
    m2 = s2_ref[...] / n
    v2 = s2q_ref[...] / n - m2 * m2
    sc2 = g2_ref[...] * lax.rsqrt(v2 + EPS)
    sh2 = bt2_ref[...] - m2 * sc2
    enc2 = jnp.maximum(y2 * sc2[None] + sh2[None], 0.0)
    yw = diff[:, :, 64:80] + bw_ref[...]
    eye = (lax.broadcasted_iota(jnp.int32, (KNB, KNB), 0)
           == lax.broadcasted_iota(jnp.int32, (KNB, KNB), 1))
    ywd = jnp.sum(yw * jnp.where(eye, 1.0, 0.0)[None], axis=2)
    mw = sw_ref[...] / n
    vw = swq_ref[...] / n - mw * mw
    scw = gw_ref[...] * lax.rsqrt(vw + EPS)
    shw = btw_ref[...] - mw * scw
    sw = jnp.maximum(ywd * scw + shw, 0.0)
    weighted = jnp.sum(enc2 * sw[:, :, None], axis=1)
    out_ref[...] = weighted + fe_ref[...]


def _final(AG, APQ, PQc, Fe2d, b1r, g1r, bt1r, bwr, gwr, btwr,
           g2r, bt2r, s1, s1q, sw_, swq, s2, s2q, W2E):
    small64 = pl.BlockSpec((1, 1, 64), lambda i: (0, 0, 0))
    small16 = pl.BlockSpec((1, 1, KNB), lambda i: (0, 0, 0))
    vec64 = pl.BlockSpec((1, 64), lambda i: (0, 0))
    vec16 = pl.BlockSpec((1, KNB), lambda i: (0, 0))
    vecC = pl.BlockSpec((1, C), lambda i: (0, 0))
    return pl.pallas_call(
        _final_body,
        grid=(NSTEP,),
        in_specs=[
            pl.BlockSpec((RB, KNB, C), lambda i: (i, 0, 0)),
            pl.BlockSpec((RB, KNB, C), lambda i: (i, 0, 0)),
            pl.BlockSpec((RB, 1, C), lambda i: (i, 0, 0)),
            pl.BlockSpec((RB, C), lambda i: (i, 0)),
            small64, small64, small64,
            small16, vec16, vec16,
            vecC, vecC,
            vec64, vec64, vec16, vec16, vecC, vecC,
            pl.BlockSpec((C, 64), lambda i: (0, 0)),
        ],
        out_specs=pl.BlockSpec((RB, C), lambda i: (i, 0)),
        out_shape=jax.ShapeDtypeStruct((NPTS, C), jnp.float32),
    )(AG, APQ, PQc, Fe2d, b1r, g1r, bt1r, bwr, gwr, btwr,
      g2r, bt2r, s1, s1q, sw_, swq, s2, s2q, W2E)


def kernel(F_E, Q_prime, W1, b1, g1, bt1, W2, b2, g2, bt2, Ww, bw, gw, btw):
    W2F = W2[:, :C]
    W2E = W2[:, C:]
    G, PQ = _make_tables(F_E, Q_prime, W2F, b2.reshape(1, C), W1, Ww)
    idx = _knn(Q_prime)
    AG, APQ = _sc_gather(G.reshape(NPTS, C), PQ.reshape(NPTS, C),
                         idx.reshape(NROWS // 128, 128))
    AG = AG.reshape(NPTS, KNB, C)
    APQ = APQ.reshape(NPTS, KNB, C)
    PQc = PQ.reshape(NPTS, 1, C)
    b1r = b1.reshape(1, 1, 64)
    bwr = bw.reshape(1, 1, KNB)
    s1, s1q, sw_, swq = _stats1(APQ, PQc, b1r, bwr)
    g1r = g1.reshape(1, 1, 64)
    bt1r = bt1.reshape(1, 1, 64)
    s2, s2q = _stats2(AG, APQ, PQc, b1r, g1r, bt1r, s1, s1q, W2E)
    Fe2d = jnp.transpose(F_E, (0, 2, 1)).reshape(NPTS, C)
    out2d = _final(AG, APQ, PQc, Fe2d, b1r, g1r, bt1r,
                   bwr, gw.reshape(1, KNB), btw.reshape(1, KNB),
                   g2.reshape(1, C), bt2.reshape(1, C),
                   s1, s1q, sw_, swq, s2, s2q, W2E)
    return jnp.transpose(out2d.reshape(B, RN, C), (0, 2, 1))

# --- scband reference (transcript-rebuilt; emitter-appended) ---
"""Pipeline reference for scband-local-refinement-unit-54065048322153 (READ-ONLY COPY).

The authoritative reference and input builder live on the scoring server;
editing this copy changes nothing except your own understanding.
"""

import jax, jax.numpy as jnp
import numpy as np

K_NEIGHBORS = 16


def _mlp(x, W, b, g, beta):
    # Linear + BatchNorm1d (training mode: batch statistics, biased var) + ReLU
    y = x @ W.T + b
    m = jnp.mean(y, axis=0)
    v = jnp.mean((y - m) ** 2, axis=0)
    y = (y - m) / jnp.sqrt(v + 1e-5) * g + beta
    return jax.nn.relu(y)


def setup_inputs(seed: int = 0) -> dict:
    key = jax.random.key(seed)
    ks = jax.random.split(key, 8)
    B, C, rN = 8, 128, 2048
    F_E = jax.random.normal(ks[0], (B, C, rN), dtype=jnp.float32)
    Q_prime = jax.random.normal(ks[1], (B, 3, rN), dtype=jnp.float32)
    # mlp1: 3 -> 64
    W1 = jax.random.normal(ks[2], (64, 3), dtype=jnp.float32) * 0.1
    b1 = jnp.zeros((64,), jnp.float32)
    g1 = jnp.ones((64,), jnp.float32)
    bt1 = jnp.zeros((64,), jnp.float32)
    # mlp2: C+64 -> C
    W2 = jax.random.normal(ks[3], (C, C + 64), dtype=jnp.float32) * 0.05
    b2 = jnp.zeros((C,), jnp.float32)
    g2 = jnp.ones((C,), jnp.float32)
    bt2 = jnp.zeros((C,), jnp.float32)
    # mlp_w: 3 -> k
    Ww = jax.random.normal(ks[4], (K_NEIGHBORS, 3), dtype=jnp.float32) * 0.1
    bw = jnp.zeros((K_NEIGHBORS,), jnp.float32)
    gw = jnp.ones((K_NEIGHBORS,), jnp.float32)
    btw = jnp.zeros((K_NEIGHBORS,), jnp.float32)
    return {"F_E": F_E, "Q_prime": Q_prime, "W1": W1, "b1": b1, "g1": g1, "bt1": bt1,
            "W2": W2, "b2": b2, "g2": g2, "bt2": bt2, "Ww": Ww, "bw": bw, "gw": gw, "btw": btw}


def reference(F_E, Q_prime, W1, b1, g1, bt1, W2, b2, g2, bt2, Ww, bw, gw, btw):
    k = K_NEIGHBORS
    B, C, rN = F_E.shape
    Qp = jnp.transpose(Q_prime, (0, 2, 1))  # (B, rN, 3)
    Fe = jnp.transpose(F_E, (0, 2, 1))      # (B, rN, C)
    # KNN (self): pairwise squared distance + top_k smallest
    sq = jnp.sum(Qp ** 2, axis=-1)
    d = sq[:, :, None] - 2.0 * jnp.einsum('bnd,bmd->bnm', Qp, Qp) + sq[:, None, :]
    _, idx = jax.lax.top_k(-d, k)  # (B, rN, k)
    # grouping_operation: features (B, C, N), idx (B, N, k) -> (B, C, N, k)
    gather = jax.vmap(lambda f, i: f[:, i])
    grouped_Q = gather(jnp.transpose(Qp, (0, 2, 1)), idx)  # (B, 3, rN, k)
    grouped_Q = jnp.transpose(grouped_Q, (0, 2, 3, 1))     # (B, rN, k, 3)
    grouped_F = gather(jnp.transpose(Fe, (0, 2, 1)), idx)  # (B, C, rN, k)
    grouped_F = jnp.transpose(grouped_F, (0, 2, 3, 1))     # (B, rN, k, C)
    Qp_dup = jnp.broadcast_to(Qp[:, :, None, :], (B, rN, k, 3))
    sub_Q = grouped_Q - Qp_dup
    sub_flat = sub_Q.reshape(B * rN * k, 3)
    enc_sub = _mlp(sub_flat, W1, b1, g1, bt1).reshape(B, rN, k, 64)
    cat = jnp.concatenate([grouped_F, enc_sub], axis=-1).reshape(B * rN * k, C + 64)
    enc_feat = _mlp(cat, W2, b2, g2, bt2).reshape(B, rN, k, C)
    sw = _mlp(sub_flat, Ww, bw, gw, btw).reshape(B, rN, k, k)
    weighted = jnp.einsum('brkc,brkk->brkc', enc_feat, sw)
    weighted = weighted.sum(axis=2)  # (B, rN, C)
    refined = weighted + Fe
    return jnp.transpose(refined, (0, 2, 1))

if __name__ == "__main__":
    import jax
    _d = setup_inputs()
    print(jax.jit(kernel)(*tuple(_d.values())))

</pallas_src>

<mosaic_0001>
#map = affine_map<(d0, d1) -> (0, 0)>
module attributes {stable_mosaic.version = 14 : i64} {
  func.func @gk(%arg0: i32, %arg1: i32, %arg2: memref<16384x128xf32, #tpu.memory_space<hbm>>, %arg3: memref<16384x128xf32, #tpu.memory_space<hbm>>, %arg4: memref<2048x128xi32, #tpu.memory_space<hbm>>, %arg5: memref<262144x128xf32, #tpu.memory_space<hbm>>, %arg6: memref<262144x128xf32, #tpu.memory_space<hbm>>, %arg7: memref<128xi32, #tpu.memory_space<vmem>>, %arg8: memref<128x128xf32, #tpu.memory_space<vmem>>, %arg9: memref<128x128xf32, #tpu.memory_space<vmem>>, %arg10: memref<!tpu.dma_semaphore, #tpu.memory_space<semaphore_mem>>) attributes {dimension_semantics = [#tpu.dimension_semantics<core_parallel>, #tpu.dimension_semantics<subcore_parallel>], iteration_bounds = array<i64: 2, 16>, scalar_prefetch = 0 : i64, scratch_operands = 4 : i64, tpu.core_type = #tpu.core_type<sc_vector_subcore>, window_params = [{transform_indices = #map}, {transform_indices = #map}, {transform_indices = #map}, {transform_indices = #map}, {transform_indices = #map}]} {
    %mul3A = arith.constant 2 : i32
    %mul3A_0 = arith.muli %arg1, %mul3A : i32
    %add3A = arith.addi %mul3A_0, %arg0 : i32
    %scan3A = arith.constant 0 : i32
    %scan3A_1 = arith.constant 0 : i32
    %scan3A_2 = arith.constant 64 : i32
    %scan3A_3 = arith.addi %scan3A_1, %scan3A_2 : i32
    %scan3A_4 = arith.constant 1 : i32
    scf.for %scan3A_6 = %scan3A_1 to %scan3A_3 step %scan3A_4  : i32 {
      %mul3A_7 = arith.constant 64 : i32
      %mul3A_8 = arith.muli %add3A, %mul3A_7 : i32
      %add3A_9 = arith.addi %mul3A_8, %scan3A_6 : i32
      "tpu.region"() ({
        %run_scoped3A = tpu.sem_alloc : memref<!tpu.dma_semaphore, #tpu.memory_space<semaphore_mem>>
        %dma_start3A_22 = arith.constant 0 : i32
        %dma_start3A_23 = tpu.memref_slice %arg4[%add3A_9, %dma_start3A_22] : memref<2048x128xi32, #tpu.memory_space<hbm>> -> memref<1x128xi32, #tpu.memory_space<hbm>>
        %dma_start3A_24 = tpu.memref_squeeze %dma_start3A_23 : memref<1x128xi32, #tpu.memory_space<hbm>> -> memref<128xi32, #tpu.memory_space<hbm>>
        %dma_start3A_25 = arith.constant 0 : i32
        %dma_start3A_26 = tpu.memref_slice %arg4[%add3A_9, %dma_start3A_25] : memref<2048x128xi32, #tpu.memory_space<hbm>> -> memref<1x128xi32, #tpu.memory_space<hbm>>
        %dma_start3A_27 = tpu.memref_squeeze %dma_start3A_26 : memref<1x128xi32, #tpu.memory_space<hbm>> -> memref<128xi32, #tpu.memory_space<hbm>>
        tpu.enqueue_dma source(%dma_start3A_27 : memref<128xi32, #tpu.memory_space<hbm>>) target(%arg7 : memref<128xi32, #tpu.memory_space<vmem>>) target_semaphore(%run_scoped3A : memref<!tpu.dma_semaphore, #tpu.memory_space<semaphore_mem>>)
        %dma_wait3A_28 = arith.constant 0 : i32
        %dma_wait3A_29 = tpu.memref_slice %arg4[%add3A_9, %dma_wait3A_28] : memref<2048x128xi32, #tpu.memory_space<hbm>> -> memref<1x128xi32, #tpu.memory_space<hbm>>
        %dma_wait3A_30 = tpu.memref_squeeze %dma_wait3A_29 : memref<1x128xi32, #tpu.memory_space<hbm>> -> memref<128xi32, #tpu.memory_space<hbm>>
        %dma_wait3A_31 = arith.constant 0 : i32
        %dma_wait3A_32 = tpu.memref_slice %arg4[%add3A_9, %dma_wait3A_31] : memref<2048x128xi32, #tpu.memory_space<hbm>> -> memref<1x128xi32, #tpu.memory_space<hbm>>
        %dma_wait3A_33 = tpu.memref_squeeze %dma_wait3A_32 : memref<1x128xi32, #tpu.memory_space<hbm>> -> memref<128xi32, #tpu.memory_space<hbm>>
        tpu.wait_dma2 semaphore(%run_scoped3A : memref<!tpu.dma_semaphore, #tpu.memory_space<semaphore_mem>>) src(%dma_wait3A_33 : memref<128xi32, #tpu.memory_space<hbm>>) dst(%arg7 : memref<128xi32, #tpu.memory_space<vmem>>)
        tpu.yield
      }) : () -> ()
      %dma_start3A = arith.constant 0 : i32
      %dma_start3A_10 = arith.constant 0 : i32
      %dma_start3A_11 = tpu.memref_slice %arg2[%dma_start3A, %dma_start3A_10] : memref<16384x128xf32, #tpu.memory_space<hbm>> -> memref<16384x128xf32, #tpu.memory_space<hbm>>
      tpu.enqueue_indirect_dma source(%dma_start3A_11 : memref<16384x128xf32, #tpu.memory_space<hbm>>) target(%arg8 : memref<128x128xf32, #tpu.memory_space<vmem>>) offsets(%arg7 : memref<128xi32, #tpu.memory_space<vmem>>) semaphore(%arg10 : memref<!tpu.dma_semaphore, #tpu.memory_space<semaphore_mem>>)
      %dma_start3A_12 = arith.constant 0 : i32
      %dma_start3A_13 = arith.constant 0 : i32
      %dma_start3A_14 = tpu.memref_slice %arg3[%dma_start3A_12, %dma_start3A_13] : memref<16384x128xf32, #tpu.memory_space<hbm>> -> memref<16384x128xf32, #tpu.memory_space<hbm>>
      tpu.enqueue_indirect_dma source(%dma_start3A_14 : memref<16384x128xf32, #tpu.memory_space<hbm>>) target(%arg9 : memref<128x128xf32, #tpu.memory_space<vmem>>) offsets(%arg7 : memref<128xi32, #tpu.memory_space<vmem>>) semaphore(%arg10 : memref<!tpu.dma_semaphore, #tpu.memory_space<semaphore_mem>>)
      %dma_wait3A = arith.constant 0 : i32
      %dma_wait3A_15 = arith.constant 0 : i32
      %dma_wait3A_16 = tpu.memref_slice %arg2[%dma_wait3A, %dma_wait3A_15] : memref<16384x128xf32, #tpu.memory_space<hbm>> -> memref<16384x128xf32, #tpu.memory_space<hbm>>
      tpu.wait_indirect_dma semaphore(%arg10 : memref<!tpu.dma_semaphore, #tpu.memory_space<semaphore_mem>>) src(%dma_wait3A_16 : memref<16384x128xf32, #tpu.memory_space<hbm>>) dst(%arg8 : memref<128x128xf32, #tpu.memory_space<vmem>>)
      %dma_wait3A_17 = arith.constant 0 : i32
      %dma_wait3A_18 = arith.constant 0 : i32
      %dma_wait3A_19 = tpu.memref_slice %arg3[%dma_wait3A_17, %dma_wait3A_18] : memref<16384x128xf32, #tpu.memory_space<hbm>> -> memref<16384x128xf32, #tpu.memory_space<hbm>>
      tpu.wait_indirect_dma semaphore(%arg10 : memref<!tpu.dma_semaphore, #tpu.memory_space<semaphore_mem>>) src(%dma_wait3A_19 : memref<16384x128xf32, #tpu.memory_space<hbm>>) dst(%arg9 : memref<128x128xf32, #tpu.memory_space<vmem>>)
      %mul3A_20 = arith.constant 128 : i32
      %mul3A_21 = arith.muli %add3A_9, %mul3A_20 : i32
      "tpu.region"() ({
        %run_scoped3A = tpu.sem_alloc : memref<!tpu.dma_semaphore, #tpu.memory_space<semaphore_mem>>
        %dma_start3A_22 = arith.constant 0 : i32
        %dma_start3A_23 = tpu.memref_slice %arg5[%mul3A_21, %dma_start3A_22] : memref<262144x128xf32, #tpu.memory_space<hbm>> -> memref<128x128xf32, #tpu.memory_space<hbm>>
        %dma_start3A_24 = arith.constant 0 : i32
        %dma_start3A_25 = tpu.memref_slice %arg5[%mul3A_21, %dma_start3A_24] : memref<262144x128xf32, #tpu.memory_space<hbm>> -> memref<128x128xf32, #tpu.memory_space<hbm>>
        tpu.enqueue_dma source(%arg8 : memref<128x128xf32, #tpu.memory_space<vmem>>) target(%dma_start3A_25 : memref<128x128xf32, #tpu.memory_space<hbm>>) target_semaphore(%run_scoped3A : memref<!tpu.dma_semaphore, #tpu.memory_space<semaphore_mem>>)
        %dma_wait3A_26 = arith.constant 0 : i32
        %dma_wait3A_27 = tpu.memref_slice %arg5[%mul3A_21, %dma_wait3A_26] : memref<262144x128xf32, #tpu.memory_space<hbm>> -> memref<128x128xf32, #tpu.memory_space<hbm>>
        %dma_wait3A_28 = arith.constant 0 : i32
        %dma_wait3A_29 = tpu.memref_slice %arg5[%mul3A_21, %dma_wait3A_28] : memref<262144x128xf32, #tpu.memory_space<hbm>> -> memref<128x128xf32, #tpu.memory_space<hbm>>
        tpu.wait_dma2 semaphore(%run_scoped3A : memref<!tpu.dma_semaphore, #tpu.memory_space<semaphore_mem>>) src(%arg8 : memref<128x128xf32, #tpu.memory_space<vmem>>) dst(%dma_wait3A_29 : memref<128x128xf32, #tpu.memory_space<hbm>>)
        tpu.yield
      }) : () -> ()
      "tpu.region"() ({
        %run_scoped3A = tpu.sem_alloc : memref<!tpu.dma_semaphore, #tpu.memory_space<semaphore_mem>>
        %dma_start3A_22 = arith.constant 0 : i32
        %dma_start3A_23 = tpu.memref_slice %arg6[%mul3A_21, %dma_start3A_22] : memref<262144x128xf32, #tpu.memory_space<hbm>> -> memref<128x128xf32, #tpu.memory_space<hbm>>
        %dma_start3A_24 = arith.constant 0 : i32
        %dma_start3A_25 = tpu.memref_slice %arg6[%mul3A_21, %dma_start3A_24] : memref<262144x128xf32, #tpu.memory_space<hbm>> -> memref<128x128xf32, #tpu.memory_space<hbm>>
        tpu.enqueue_dma source(%arg9 : memref<128x128xf32, #tpu.memory_space<vmem>>) target(%dma_start3A_25 : memref<128x128xf32, #tpu.memory_space<hbm>>) target_semaphore(%run_scoped3A : memref<!tpu.dma_semaphore, #tpu.memory_space<semaphore_mem>>)
        %dma_wait3A_26 = arith.constant 0 : i32
        %dma_wait3A_27 = tpu.memref_slice %arg6[%mul3A_21, %dma_wait3A_26] : memref<262144x128xf32, #tpu.memory_space<hbm>> -> memref<128x128xf32, #tpu.memory_space<hbm>>
        %dma_wait3A_28 = arith.constant 0 : i32
        %dma_wait3A_29 = tpu.memref_slice %arg6[%mul3A_21, %dma_wait3A_28] : memref<262144x128xf32, #tpu.memory_space<hbm>> -> memref<128x128xf32, #tpu.memory_space<hbm>>
        tpu.wait_dma2 semaphore(%run_scoped3A : memref<!tpu.dma_semaphore, #tpu.memory_space<semaphore_mem>>) src(%arg9 : memref<128x128xf32, #tpu.memory_space<vmem>>) dst(%dma_wait3A_29 : memref<128x128xf32, #tpu.memory_space<hbm>>)
        tpu.yield
      }) : () -> ()
    }
    %scan3A_5 = arith.constant 64 : i32
    return
  }
}

module attributes {stable_mosaic.version = 14 : i64} {
  func.func @_knn_body(%arg0: i32, %arg1: i32, %arg2: memref<1x3x2048xf32, #tpu.memory_space<vmem>>, %arg3: memref<1x512x16xi32, #tpu.memory_space<vmem>>) attributes {dimension_semantics = [#tpu.dimension_semantics<arbitrary>, #tpu.dimension_semantics<arbitrary>], iteration_bounds = array<i64: 8, 4>, scalar_prefetch = 0 : i64, scratch_operands = 0 : i64, tpu.core_type = #tpu.core_type<tc>, window_params = [{transform_indices = @transform_0, window_bounds = array<i64: 1, 3, 2048>}, {transform_indices = @transform_1, window_bounds = array<i64: 1, 512, 16>}]} {
    %get3A = arith.constant 0 : index
    %get3A_0 = arith.constant 0 : index
    %get3A_1 = arith.constant 0 : index
    %get3A_2 = vector.load %arg2[%get3A, %get3A_0, %get3A_1] : memref<1x3x2048xf32, #tpu.memory_space<vmem>>, vector<1x3x2048xf32>
    %get3A_3 = vector.shape_cast %get3A_2 : vector<1x3x2048xf32> to vector<3x2048xf32>
    %mul3A = arith.mulf %get3A_3, %get3A_3 : vector<3x2048xf32>
    %reduce_sum3A = arith.constant dense<0.000000e+00> : vector<2048xf32>
    %reduce_sum3A_4 = vector.multi_reduction <add>, %mul3A, %reduce_sum3A [0] : vector<3x2048xf32> to vector<2048xf32>
    %broadcast_in_dim3A = vector.shape_cast %reduce_sum3A_4 : vector<2048xf32> to vector<1x2048xf32>
    %mul3A_5 = arith.constant 512 : i32
    %mul3A_6 = arith.muli %arg1, %mul3A_5 : i32
    %get3A_7 = arith.constant 0 : index
    %get3A_8 = arith.constant 0 : index
    %get3A_9 = arith.index_cast %mul3A_6 : i32 to index
    %get3A_10 = vector.load %arg2[%get3A_7, %get3A_8, %get3A_9] : memref<1x3x2048xf32, #tpu.memory_space<vmem>>, vector<1x3x512xf32>
    %get3A_11 = vector.shape_cast %get3A_10 : vector<1x3x512xf32> to vector<3x512xf32>
    %dot_general3A = arith.constant dense<0.000000e+00> : vector<512x2048xf32>
    %dot_general3A_12 = tpu.matmul %get3A_11, %get3A_3, %dot_general3A {dimension_numbers = #tpu.dot_dimension_numbers<[0], [0], [1], [1], [0, 1, 1, 1], [], []>, transpose_lhs_hint = false} : vector<3x512xf32>, vector<3x2048xf32>, vector<512x2048xf32> -> vector<512x2048xf32>
    %mul3A_13 = arith.mulf %get3A_11, %get3A_11 : vector<3x512xf32>
    %reduce_sum3A_14 = arith.constant dense<0.000000e+00> : vector<512xf32>
    %reduce_sum3A_15 = vector.multi_reduction <add>, %mul3A_13, %reduce_sum3A_14 [0] : vector<3x512xf32> to vector<512xf32>
    %reshape3A = vector.shape_cast %reduce_sum3A_15 : vector<512xf32> to vector<512x1xf32>
    %mul3A_16 = arith.constant 2.000000e+00 : f32
    %mul3A_17 = vector.broadcast %mul3A_16 : f32 to vector<512x2048xf32>
    %mul3A_18 = arith.mulf %mul3A_17, %dot_general3A_12 : vector<512x2048xf32>
    %sub3A = vector.broadcast %reshape3A : vector<512x1xf32> to vector<512x2048xf32>
    %sub3A_19 = arith.subf %sub3A, %mul3A_18 : vector<512x2048xf32>
    %add3A = vector.broadcast %broadcast_in_dim3A : vector<1x2048xf32> to vector<512x2048xf32>
    %add3A_20 = arith.addf %sub3A_19, %add3A : vector<512x2048xf32>
    %iota3A = tpu.iota {dimensions = array<i32: 1>} : vector<512x2048xi32>
    %convert_element_type3A = arith.sitofp %iota3A : vector<512x2048xi32> to vector<512x2048xf32>
    %reduce_min3A = arith.constant dense<0x7F800000> : vector<512xf32>
    %reduce_min3A_21 = vector.multi_reduction <minimumf>, %add3A_20, %reduce_min3A [1] : vector<512x2048xf32> to vector<512xf32>
    %broadcast_in_dim3A_22 = vector.shape_cast %reduce_min3A_21 : vector<512xf32> to vector<512x1xf32>
    %eq3A = vector.broadcast %broadcast_in_dim3A_22 : vector<512x1xf32> to vector<512x2048xf32>
    %eq3A_23 = arith.cmpf oeq, %add3A_20, %eq3A : vector<512x2048xf32>
    %jit3A = arith.constant 2.048000e+03 : f32
    %broadcast_in_dim3A_24 = vector.broadcast %jit3A : f32 to vector<512x2048xf32>
    %select_n3A = arith.select %eq3A_23, %convert_element_type3A, %broadcast_in_dim3A_24 : vector<512x2048xi1>, vector<512x2048xf32>
    %reduce_min3A_25 = arith.constant dense<0x7F800000> : vector<512xf32>
    %reduce_min3A_26 = vector.multi_reduction <minimumf>, %select_n3A, %reduce_min3A_25 [1] : vector<512x2048xf32> to vector<512xf32>
    %broadcast_in_dim3A_27 = vector.shape_cast %reduce_min3A_26 : vector<512xf32> to vector<512x1xf32>
    %eq3A_28 = vector.broadcast %broadcast_in_dim3A_27 : vector<512x1xf32> to vector<512x2048xf32>
    %eq3A_29 = arith.cmpf oeq, %convert_element_type3A, %eq3A_28 : vector<512x2048xf32>
    %jit3A_30 = arith.constant 0x7F800000 : f32
    %broadcast_in_dim3A_31 = vector.broadcast %jit3A_30 : f32 to vector<512x2048xf32>
    %select_n3A_32 = arith.select %eq3A_29, %broadcast_in_dim3A_31, %add3A_20 : vector<512x2048xi1>, vector<512x2048xf32>
    %convert_element_type3A_33 = arith.fptosi %broadcast_in_dim3A_27 : vector<512x1xf32> to vector<512x1xi32>
    %mul3A_34 = arith.constant 2048 : i32
    %mul3A_35 = arith.muli %arg0, %mul3A_34 : i32
    %add3A_36 = vector.broadcast %mul3A_35 : i32 to vector<512x1xi32>
    %add3A_37 = arith.addi %convert_element_type3A_33, %add3A_36 : vector<512x1xi32>
    %reduce_min3A_38 = arith.constant dense<0x7F800000> : vector<512xf32>
    %reduce_min3A_39 = vector.multi_reduction <minimumf>, %select_n3A_32, %reduce_min3A_38 [1] : vector<512x2048xf32> to vector<512xf32>
    %broadcast_in_dim3A_40 = vector.shape_cast %reduce_min3A_39 : vector<512xf32> to vector<512x1xf32>
    %eq3A_41 = vector.broadcast %broadcast_in_dim3A_40 : vector<512x1xf32> to vector<512x2048xf32>
    %eq3A_42 = arith.cmpf oeq, %select_n3A_32, %eq3A_41 : vector<512x2048xf32>
    %jit3A_43 = arith.constant 2.048000e+03 : f32
    %broadcast_in_dim3A_44 = vector.broadcast %jit3A_43 : f32 to vector<512x2048xf32>
    %select_n3A_45 = arith.select %eq3A_42, %convert_element_type3A, %broadcast_in_dim3A_44 : vector<512x2048xi1>, vector<512x2048xf32>
    %reduce_min3A_46 = arith.constant dense<0x7F800000> : vector<512xf32>
    %reduce_min3A_47 = vector.multi_reduction <minimumf>, %select_n3A_45, %reduce_min3A_46 [1] : vector<512x2048xf32> to vector<512xf32>
    %broadcast_in_dim3A_48 = vector.shape_cast %reduce_min3A_47 : vector<512xf32> to vector<512x1xf32>
    %eq3A_49 = vector.broadcast %broadcast_in_dim3A_48 : vector<512x1xf32> to vector<512x2048xf32>
    %eq3A_50 = arith.cmpf oeq, %convert_element_type3A, %eq3A_49 : vector<512x2048xf32>
    %jit3A_51 = arith.constant 0x7F800000 : f32
    %broadcast_in_dim3A_52 = vector.broadcast %jit3A_51 : f32 to vector<512x2048xf32>
    %select_n3A_53 = arith.select %eq3A_50, %broadcast_in_dim3A_52, %select_n3A_32 : vector<512x2048xi1>, vector<512x2048xf32>
    %convert_element_type3A_54 = arith.fptosi %broadcast_in_dim3A_48 : vector<512x1xf32> to vector<512x1xi32>
    %mul3A_55 = arith.constant 2048 : i32
    %mul3A_56 = arith.muli %arg0, %mul3A_55 : i32
    %add3A_57 = vector.broadcast %mul3A_56 : i32 to vector<512x1xi32>
    %add3A_58 = arith.addi %convert_element_type3A_54, %add3A_57 : vector<512x1xi32>
    %reduce_min3A_59 = arith.constant dense<0x7F800000> : vector<512xf32>
    %reduce_min3A_60 = vector.multi_reduction <minimumf>, %select_n3A_53, %reduce_min3A_59 [1] : vector<512x2048xf32> to vector<512xf32>
    %broadcast_in_dim3A_61 = vector.shape_cast %reduce_min3A_60 : vector<512xf32> to vector<512x1xf32>
    %eq3A_62 = vector.broadcast %broadcast_in_dim3A_61 : vector<512x1xf32> to vector<512x2048xf32>
    %eq3A_63 = arith.cmpf oeq, %select_n3A_53, %eq3A_62 : vector<512x2048xf32>
    %jit3A_64 = arith.constant 2.048000e+03 : f32
    %broadcast_in_dim3A_65 = vector.broadcast %jit3A_64 : f32 to vector<512x2048xf32>
    %select_n3A_66 = arith.select %eq3A_63, %convert_element_type3A, %broadcast_in_dim3A_65 : vector<512x2048xi1>, vector<512x2048xf32>
    %reduce_min3A_67 = arith.constant dense<0x7F800000> : vector<512xf32>
    %reduce_min3A_68 = vector.multi_reduction <minimumf>, %select_n3A_66, %reduce_min3A_67 [1] : vector<512x2048xf32> to vector<512xf32>
    %broadcast_in_dim3A_69 = vector.shape_cast %reduce_min3A_68 : vector<512xf32> to vector<512x1xf32>
    %eq3A_70 = vector.broadcast %broadcast_in_dim3A_69 : vector<512x1xf32> to vector<512x2048xf32>
    %eq3A_71 = arith.cmpf oeq, %convert_element_type3A, %eq3A_70 : vector<512x2048xf32>
    %jit3A_72 = arith.constant 0x7F800000 : f32
    %broadcast_in_dim3A_73 = vector.broadcast %jit3A_72 : f32 to vector<512x2048xf32>
    %select_n3A_74 = arith.select %eq3A_71, %broadcast_in_dim3A_73, %select_n3A_53 : vector<512x2048xi1>, vector<512x2048xf32>
    %convert_element_type3A_75 = arith.fptosi %broadcast_in_dim3A_69 : vector<512x1xf32> to vector<512x1xi32>
    %mul3A_76 = arith.constant 2048 : i32
    %mul3A_77 = arith.muli %arg0, %mul3A_76 : i32
    %add3A_78 = vector.broadcast %mul3A_77 : i32 to vector<512x1xi32>
    %add3A_79 = arith.addi %convert_element_type3A_75, %add3A_78 : vector<512x1xi32>
    %reduce_min3A_80 = arith.constant dense<0x7F800000> : vector<512xf32>
    %reduce_min3A_81 = vector.multi_reduction <minimumf>, %select_n3A_74, %reduce_min3A_80 [1] : vector<512x2048xf32> to vector<512xf32>
    %broadcast_in_dim3A_82 = vector.shape_cast %reduce_min3A_81 : vector<512xf32> to vector<512x1xf32>
    %eq3A_83 = vector.broadcast %broadcast_in_dim3A_82 : vector<512x1xf32> to vector<512x2048xf32>
    %eq3A_84 = arith.cmpf oeq, %select_n3A_74, %eq3A_83 : vector<512x2048xf32>
    %jit3A_85 = arith.constant 2.048000e+03 : f32
    %broadcast_in_dim3A_86 = vector.broadcast %jit3A_85 : f32 to vector<512x2048xf32>
    %select_n3A_87 = arith.select %eq3A_84, %convert_element_type3A, %broadcast_in_dim3A_86 : vector<512x2048xi1>, vector<512x2048xf32>
    %reduce_min3A_88 = arith.constant dense<0x7F800000> : vector<512xf32>
    %reduce_min3A_89 = vector.multi_reduction <minimumf>, %select_n3A_87, %reduce_min3A_88 [1] : vector<512x2048xf32> to vector<512xf32>
    %broadcast_in_dim3A_90 = vector.shape_cast %reduce_min3A_89 : vector<512xf32> to vector<512x1xf32>
    %eq3A_91 = vector.broadcast %broadcast_in_dim3A_90 : vector<512x1xf32> to vector<512x2048xf32>
    %eq3A_92 = arith.cmpf oeq, %convert_element_type3A, %eq3A_91 : vector<512x2048xf32>
    %jit3A_93 = arith.constant 0x7F800000 : f32
    %broadcast_in_dim3A_94 = vector.broadcast %jit3A_93 : f32 to vector<512x2048xf32>
    %select_n3A_95 = arith.select %eq3A_92, %broadcast_in_dim3A_94, %select_n3A_74 : vector<512x2048xi1>, vector<512x2048xf32>
    %convert_element_type3A_96 = arith.fptosi %broadcast_in_dim3A_90 : vector<512x1xf32> to vector<512x1xi32>
    %mul3A_97 = arith.constant 2048 : i32
    %mul3A_98 = arith.muli %arg0, %mul3A_97 : i32
    %add3A_99 = vector.broadcast %mul3A_98 : i32 to vector<512x1xi32>
    %add3A_100 = arith.addi %convert_element_type3A_96, %add3A_99 : vector<512x1xi32>
    %reduce_min3A_101 = arith.constant dense<0x7F800000> : vector<512xf32>
    %reduce_min3A_102 = vector.multi_reduction <minimumf>, %select_n3A_95, %reduce_min3A_101 [1] : vector<512x2048xf32> to vector<512xf32>
    %broadcast_in_dim3A_103 = vector.shape_cast %reduce_min3A_102 : vector<512xf32> to vector<512x1xf32>
    %eq3A_104 = vector.broadcast %broadcast_in_dim3A_103 : vector<512x1xf32> to vector<512x2048xf32>
    %eq3A_105 = arith.cmpf oeq, %select_n3A_95, %eq3A_104 : vector<512x2048xf32>
    %jit3A_106 = arith.constant 2.048000e+03 : f32
    %broadcast_in_dim3A_107 = vector.broadcast %jit3A_106 : f32 to vector<512x2048xf32>
    %select_n3A_108 = arith.select %eq3A_105, %convert_element_type3A, %broadcast_in_dim3A_107 : vector<512x2048xi1>, vector<512x2048xf32>
    %reduce_min3A_109 = arith.constant dense<0x7F800000> : vector<512xf32>
    %reduce_min3A_110 = vector.multi_reduction <minimumf>, %select_n3A_108, %reduce_min3A_109 [1] : vector<512x2048xf32> to vector<512xf32>
    %broadcast_in_dim3A_111 = vector.shape_cast %reduce_min3A_110 : vector<512xf32> to vector<512x1xf32>
    %eq3A_112 = vector.broadcast %broadcast_in_dim3A_111 : vector<512x1xf32> to vector<512x2048xf32>
    %eq3A_113 = arith.cmpf oeq, %convert_element_type3A, %eq3A_112 : vector<512x2048xf32>
    %jit3A_114 = arith.constant 0x7F800000 : f32
    %broadcast_in_dim3A_115 = vector.broadcast %jit3A_114 : f32 to vector<512x2048xf32>
    %select_n3A_116 = arith.select %eq3A_113, %broadcast_in_dim3A_115, %select_n3A_95 : vector<512x2048xi1>, vector<512x2048xf32>
    %convert_element_type3A_117 = arith.fptosi %broadcast_in_dim3A_111 : vector<512x1xf32> to vector<512x1xi32>
    %mul3A_118 = arith.constant 2048 : i32
    %mul3A_119 = arith.muli %arg0, %mul3A_118 : i32
    %add3A_120 = vector.broadcast %mul3A_119 : i32 to vector<512x1xi32>
    %add3A_121 = arith.addi %convert_element_type3A_117, %add3A_120 : vector<512x1xi32>
    %reduce_min3A_122 = arith.constant dense<0x7F800000> : vector<512xf32>
    %reduce_min3A_123 = vector.multi_reduction <minimumf>, %select_n3A_116, %reduce_min3A_122 [1] : vector<512x2048xf32> to vector<512xf32>
    %broadcast_in_dim3A_124 = vector.shape_cast %reduce_min3A_123 : vector<512xf32> to vector<512x1xf32>
    %eq3A_125 = vector.broadcast %broadcast_in_dim3A_124 : vector<512x1xf32> to vector<512x2048xf32>
    %eq3A_126 = arith.cmpf oeq, %select_n3A_116, %eq3A_125 : vector<512x2048xf32>
    %jit3A_127 = arith.constant 2.048000e+03 : f32
    %broadcast_in_dim3A_128 = vector.broadcast %jit3A_127 : f32 to vector<512x2048xf32>
    %select_n3A_129 = arith.select %eq3A_126, %convert_element_type3A, %broadcast_in_dim3A_128 : vector<512x2048xi1>, vector<512x2048xf32>
    %reduce_min3A_130 = arith.constant dense<0x7F800000> : vector<512xf32>
    %reduce_min3A_131 = vector.multi_reduction <minimumf>, %select_n3A_129, %reduce_min3A_130 [1] : vector<512x2048xf32> to vector<512xf32>
    %broadcast_in_dim3A_132 = vector.shape_cast %reduce_min3A_131 : vector<512xf32> to vector<512x1xf32>
    %eq3A_133 = vector.broadcast %broadcast_in_dim3A_132 : vector<512x1xf32> to vector<512x2048xf32>
    %eq3A_134 = arith.cmpf oeq, %convert_element_type3A, %eq3A_133 : vector<512x2048xf32>
    %jit3A_135 = arith.constant 0x7F800000 : f32
    %broadcast_in_dim3A_136 = vector.broadcast %jit3A_135 : f32 to vector<512x2048xf32>
    %select_n3A_137 = arith.select %eq3A_134, %broadcast_in_dim3A_136, %select_n3A_116 : vector<512x2048xi1>, vector<512x2048xf32>
    %convert_element_type3A_138 = arith.fptosi %broadcast_in_dim3A_132 : vector<512x1xf32> to vector<512x1xi32>
    %mul3A_139 = arith.constant 2048 : i32
    %mul3A_140 = arith.muli %arg0, %mul3A_139 : i32
    %add3A_141 = vector.broadcast %mul3A_140 : i32 to vector<512x1xi32>
    %add3A_142 = arith.addi %convert_element_type3A_138, %add3A_141 : vector<512x1xi32>
    %reduce_min3A_143 = arith.constant dense<0x7F800000> : vector<512xf32>
    %reduce_min3A_144 = vector.multi_reduction <minimumf>, %select_n3A_137, %reduce_min3A_143 [1] : vector<512x2048xf32> to vector<512xf32>
    %broadcast_in_dim3A_145 = vector.shape_cast %reduce_min3A_144 : vector<512xf32> to vector<512x1xf32>
    %eq3A_146 = vector.broadcast %broadcast_in_dim3A_145 : vector<512x1xf32> to vector<512x2048xf32>
    %eq3A_147 = arith.cmpf oeq, %select_n3A_137, %eq3A_146 : vector<512x2048xf32>
    %jit3A_148 = arith.constant 2.048000e+03 : f32
    %broadcast_in_dim3A_149 = vector.broadcast %jit3A_148 : f32 to vector<512x2048xf32>
    %select_n3A_150 = arith.select %eq3A_147, %convert_element_type3A, %broadcast_in_dim3A_149 : vector<512x2048xi1>, vector<512x2048xf32>
    %reduce_min3A_151 = arith.constant dense<0x7F800000> : vector<512xf32>
    %reduce_min3A_152 = vector.multi_reduction <minimumf>, %select_n3A_150, %reduce_min3A_151 [1] : vector<512x2048xf32> to vector<512xf32>
    %broadcast_in_dim3A_153 = vector.shape_cast %reduce_min3A_152 : vector<512xf32> to vector<512x1xf32>
    %eq3A_154 = vector.broadcast %broadcast_in_dim3A_153 : vector<512x1xf32> to vector<512x2048xf32>
    %eq3A_155 = arith.cmpf oeq, %convert_element_type3A, %eq3A_154 : vector<512x2048xf32>
    %jit3A_156 = arith.constant 0x7F800000 : f32
    %broadcast_in_dim3A_157 = vector.broadcast %jit3A_156 : f32 to vector<512x2048xf32>
    %select_n3A_158 = arith.select %eq3A_155, %broadcast_in_dim3A_157, %select_n3A_137 : vector<512x2048xi1>, vector<512x2048xf32>
    %convert_element_type3A_159 = arith.fptosi %broadcast_in_dim3A_153 : vector<512x1xf32> to vector<512x1xi32>
    %mul3A_160 = arith.constant 2048 : i32
    %mul3A_161 = arith.muli %arg0, %mul3A_160 : i32
    %add3A_162 = vector.broadcast %mul3A_161 : i32 to vector<512x1xi32>
    %add3A_163 = arith.addi %convert_element_type3A_159, %add3A_162 : vector<512x1xi32>
    %reduce_min3A_164 = arith.constant dense<0x7F800000> : vector<512xf32>
    %reduce_min3A_165 = vector.multi_reduction <minimumf>, %select_n3A_158, %reduce_min3A_164 [1] : vector<512x2048xf32> to vector<512xf32>
    %broadcast_in_dim3A_166 = vector.shape_cast %reduce_min3A_165 : vector<512xf32> to vector<512x1xf32>
    %eq3A_167 = vector.broadcast %broadcast_in_dim3A_166 : vector<512x1xf32> to vector<512x2048xf32>
    %eq3A_168 = arith.cmpf oeq, %select_n3A_158, %eq3A_167 : vector<512x2048xf32>
    %jit3A_169 = arith.constant 2.048000e+03 : f32
    %broadcast_in_dim3A_170 = vector.broadcast %jit3A_169 : f32 to vector<512x2048xf32>
    %select_n3A_171 = arith.select %eq3A_168, %convert_element_type3A, %broadcast_in_dim3A_170 : vector<512x2048xi1>, vector<512x2048xf32>
    %reduce_min3A_172 = arith.constant dense<0x7F800000> : vector<512xf32>
    %reduce_min3A_173 = vector.multi_reduction <minimumf>, %select_n3A_171, %reduce_min3A_172 [1] : vector<512x2048xf32> to vector<512xf32>
    %broadcast_in_dim3A_174 = vector.shape_cast %reduce_min3A_173 : vector<512xf32> to vector<512x1xf32>
    %eq3A_175 = vector.broadcast %broadcast_in_dim3A_174 : vector<512x1xf32> to vector<512x2048xf32>
    %eq3A_176 = arith.cmpf oeq, %convert_element_type3A, %eq3A_175 : vector<512x2048xf32>
    %jit3A_177 = arith.constant 0x7F800000 : f32
    %broadcast_in_dim3A_178 = vector.broadcast %jit3A_177 : f32 to vector<512x2048xf32>
    %select_n3A_179 = arith.select %eq3A_176, %broadcast_in_dim3A_178, %select_n3A_158 : vector<512x2048xi1>, vector<512x2048xf32>
    %convert_element_type3A_180 = arith.fptosi %broadcast_in_dim3A_174 : vector<512x1xf32> to vector<512x1xi32>
    %mul3A_181 = arith.constant 2048 : i32
    %mul3A_182 = arith.muli %arg0, %mul3A_181 : i32
    %add3A_183 = vector.broadcast %mul3A_182 : i32 to vector<512x1xi32>
    %add3A_184 = arith.addi %convert_element_type3A_180, %add3A_183 : vector<512x1xi32>
    %reduce_min3A_185 = arith.constant dense<0x7F800000> : vector<512xf32>
    %reduce_min3A_186 = vector.multi_reduction <minimumf>, %select_n3A_179, %reduce_min3A_185 [1] : vector<512x2048xf32> to vector<512xf32>
    %broadcast_in_dim3A_187 = vector.shape_cast %reduce_min3A_186 : vector<512xf32> to vector<512x1xf32>
    %eq3A_188 = vector.broadcast %broadcast_in_dim3A_187 : vector<512x1xf32> to vector<512x2048xf32>
    %eq3A_189 = arith.cmpf oeq, %select_n3A_179, %eq3A_188 : vector<512x2048xf32>
    %jit3A_190 = arith.constant 2.048000e+03 : f32
    %broadcast_in_dim3A_191 = vector.broadcast %jit3A_190 : f32 to vector<512x2048xf32>
    %select_n3A_192 = arith.select %eq3A_189, %convert_element_type3A, %broadcast_in_dim3A_191 : vector<512x2048xi1>, vector<512x2048xf32>
    %reduce_min3A_193 = arith.constant dense<0x7F800000> : vector<512xf32>
    %reduce_min3A_194 = vector.multi_reduction <minimumf>, %select_n3A_192, %reduce_min3A_193 [1] : vector<512x2048xf32> to vector<512xf32>
    %broadcast_in_dim3A_195 = vector.shape_cast %reduce_min3A_194 : vector<512xf32> to vector<512x1xf32>
    %eq3A_196 = vector.broadcast %broadcast_in_dim3A_195 : vector<512x1xf32> to vector<512x2048xf32>
    %eq3A_197 = arith.cmpf oeq, %convert_element_type3A, %eq3A_196 : vector<512x2048xf32>
    %jit3A_198 = arith.constant 0x7F800000 : f32
    %broadcast_in_dim3A_199 = vector.broadcast %jit3A_198 : f32 to vector<512x2048xf32>
    %select_n3A_200 = arith.select %eq3A_197, %broadcast_in_dim3A_199, %select_n3A_179 : vector<512x2048xi1>, vector<512x2048xf32>
    %convert_element_type3A_201 = arith.fptosi %broadcast_in_dim3A_195 : vector<512x1xf32> to vector<512x1xi32>
    %mul3A_202 = arith.constant 2048 : i32
    %mul3A_203 = arith.muli %arg0, %mul3A_202 : i32
    %add3A_204 = vector.broadcast %mul3A_203 : i32 to vector<512x1xi32>
    %add3A_205 = arith.addi %convert_element_type3A_201, %add3A_204 : vector<512x1xi32>
    %reduce_min3A_206 = arith.constant dense<0x7F800000> : vector<512xf32>
    %reduce_min3A_207 = vector.multi_reduction <minimumf>, %select_n3A_200, %reduce_min3A_206 [1] : vector<512x2048xf32> to vector<512xf32>
    %broadcast_in_dim3A_208 = vector.shape_cast %reduce_min3A_207 : vector<512xf32> to vector<512x1xf32>
    %eq3A_209 = vector.broadcast %broadcast_in_dim3A_208 : vector<512x1xf32> to vector<512x2048xf32>
    %eq3A_210 = arith.cmpf oeq, %select_n3A_200, %eq3A_209 : vector<512x2048xf32>
    %jit3A_211 = arith.constant 2.048000e+03 : f32
    %broadcast_in_dim3A_212 = vector.broadcast %jit3A_211 : f32 to vector<512x2048xf32>
    %select_n3A_213 = arith.select %eq3A_210, %convert_element_type3A, %broadcast_in_dim3A_212 : vector<512x2048xi1>, vector<512x2048xf32>
    %reduce_min3A_214 = arith.constant dense<0x7F800000> : vector<512xf32>
    %reduce_min3A_215 = vector.multi_reduction <minimumf>, %select_n3A_213, %reduce_min3A_214 [1] : vector<512x2048xf32> to vector<512xf32>
    %broadcast_in_dim3A_216 = vector.shape_cast %reduce_min3A_215 : vector<512xf32> to vector<512x1xf32>
    %eq3A_217 = vector.broadcast %broadcast_in_dim3A_216 : vector<512x1xf32> to vector<512x2048xf32>
    %eq3A_218 = arith.cmpf oeq, %convert_element_type3A, %eq3A_217 : vector<512x2048xf32>
    %jit3A_219 = arith.constant 0x7F800000 : f32
    %broadcast_in_dim3A_220 = vector.broadcast %jit3A_219 : f32 to vector<512x2048xf32>
    %select_n3A_221 = arith.select %eq3A_218, %broadcast_in_dim3A_220, %select_n3A_200 : vector<512x2048xi1>, vector<512x2048xf32>
    %convert_element_type3A_222 = arith.fptosi %broadcast_in_dim3A_216 : vector<512x1xf32> to vector<512x1xi32>
    %mul3A_223 = arith.constant 2048 : i32
    %mul3A_224 = arith.muli %arg0, %mul3A_223 : i32
    %add3A_225 = vector.broadcast %mul3A_224 : i32 to vector<512x1xi32>
    %add3A_226 = arith.addi %convert_element_type3A_222, %add3A_225 : vector<512x1xi32>
    %reduce_min3A_227 = arith.constant dense<0x7F800000> : vector<512xf32>
    %reduce_min3A_228 = vector.multi_reduction <minimumf>, %select_n3A_221, %reduce_min3A_227 [1] : vector<512x2048xf32> to vector<512xf32>
    %broadcast_in_dim3A_229 = vector.shape_cast %reduce_min3A_228 : vector<512xf32> to vector<512x1xf32>
    %eq3A_230 = vector.broadcast %broadcast_in_dim3A_229 : vector<512x1xf32> to vector<512x2048xf32>
    %eq3A_231 = arith.cmpf oeq, %select_n3A_221, %eq3A_230 : vector<512x2048xf32>
    %jit3A_232 = arith.constant 2.048000e+03 : f32
    %broadcast_in_dim3A_233 = vector.broadcast %jit3A_232 : f32 to vector<512x2048xf32>
    %select_n3A_234 = arith.select %eq3A_231, %convert_element_type3A, %broadcast_in_dim3A_233 : vector<512x2048xi1>, vector<512x2048xf32>
    %reduce_min3A_235 = arith.constant dense<0x7F800000> : vector<512xf32>
    %reduce_min3A_236 = vector.multi_reduction <minimumf>, %select_n3A_234, %reduce_min3A_235 [1] : vector<512x2048xf32> to vector<512xf32>
    %broadcast_in_dim3A_237 = vector.shape_cast %reduce_min3A_236 : vector<512xf32> to vector<512x1xf32>
    %eq3A_238 = vector.broadcast %broadcast_in_dim3A_237 : vector<512x1xf32> to vector<512x2048xf32>
    %eq3A_239 = arith.cmpf oeq, %convert_element_type3A, %eq3A_238 : vector<512x2048xf32>
    %jit3A_240 = arith.constant 0x7F800000 : f32
    %broadcast_in_dim3A_241 = vector.broadcast %jit3A_240 : f32 to vector<512x2048xf32>
    %select_n3A_242 = arith.select %eq3A_239, %broadcast_in_dim3A_241, %select_n3A_221 : vector<512x2048xi1>, vector<512x2048xf32>
    %convert_element_type3A_243 = arith.fptosi %broadcast_in_dim3A_237 : vector<512x1xf32> to vector<512x1xi32>
    %mul3A_244 = arith.constant 2048 : i32
    %mul3A_245 = arith.muli %arg0, %mul3A_244 : i32
    %add3A_246 = vector.broadcast %mul3A_245 : i32 to vector<512x1xi32>
    %add3A_247 = arith.addi %convert_element_type3A_243, %add3A_246 : vector<512x1xi32>
    %reduce_min3A_248 = arith.constant dense<0x7F800000> : vector<512xf32>
    %reduce_min3A_249 = vector.multi_reduction <minimumf>, %select_n3A_242, %reduce_min3A_248 [1] : vector<512x2048xf32> to vector<512xf32>
    %broadcast_in_dim3A_250 = vector.shape_cast %reduce_min3A_249 : vector<512xf32> to vector<512x1xf32>
    %eq3A_251 = vector.broadcast %broadcast_in_dim3A_250 : vector<512x1xf32> to vector<512x2048xf32>
    %eq3A_252 = arith.cmpf oeq, %select_n3A_242, %eq3A_251 : vector<512x2048xf32>
    %jit3A_253 = arith.constant 2.048000e+03 : f32
    %broadcast_in_dim3A_254 = vector.broadcast %jit3A_253 : f32 to vector<512x2048xf32>
    %select_n3A_255 = arith.select %eq3A_252, %convert_element_type3A, %broadcast_in_dim3A_254 : vector<512x2048xi1>, vector<512x2048xf32>
    %reduce_min3A_256 = arith.constant dense<0x7F800000> : vector<512xf32>
    %reduce_min3A_257 = vector.multi_reduction <minimumf>, %select_n3A_255, %reduce_min3A_256 [1] : vector<512x2048xf32> to vector<512xf32>
    %broadcast_in_dim3A_258 = vector.shape_cast %reduce_min3A_257 : vector<512xf32> to vector<512x1xf32>
    %eq3A_259 = vector.broadcast %broadcast_in_dim3A_258 : vector<512x1xf32> to vector<512x2048xf32>
    %eq3A_260 = arith.cmpf oeq, %convert_element_type3A, %eq3A_259 : vector<512x2048xf32>
    %jit3A_261 = arith.constant 0x7F800000 : f32
    %broadcast_in_dim3A_262 = vector.broadcast %jit3A_261 : f32 to vector<512x2048xf32>
    %select_n3A_263 = arith.select %eq3A_260, %broadcast_in_dim3A_262, %select_n3A_242 : vector<512x2048xi1>, vector<512x2048xf32>
    %convert_element_type3A_264 = arith.fptosi %broadcast_in_dim3A_258 : vector<512x1xf32> to vector<512x1xi32>
    %mul3A_265 = arith.constant 2048 : i32
    %mul3A_266 = arith.muli %arg0, %mul3A_265 : i32
    %add3A_267 = vector.broadcast %mul3A_266 : i32 to vector<512x1xi32>
    %add3A_268 = arith.addi %convert_element_type3A_264, %add3A_267 : vector<512x1xi32>
    %reduce_min3A_269 = arith.constant dense<0x7F800000> : vector<512xf32>
    %reduce_min3A_270 = vector.multi_reduction <minimumf>, %select_n3A_263, %reduce_min3A_269 [1] : vector<512x2048xf32> to vector<512xf32>
    %broadcast_in_dim3A_271 = vector.shape_cast %reduce_min3A_270 : vector<512xf32> to vector<512x1xf32>
    %eq3A_272 = vector.broadcast %broadcast_in_dim3A_271 : vector<512x1xf32> to vector<512x2048xf32>
    %eq3A_273 = arith.cmpf oeq, %select_n3A_263, %eq3A_272 : vector<512x2048xf32>
    %jit3A_274 = arith.constant 2.048000e+03 : f32
    %broadcast_in_dim3A_275 = vector.broadcast %jit3A_274 : f32 to vector<512x2048xf32>
    %select_n3A_276 = arith.select %eq3A_273, %convert_element_type3A, %broadcast_in_dim3A_275 : vector<512x2048xi1>, vector<512x2048xf32>
    %reduce_min3A_277 = arith.constant dense<0x7F800000> : vector<512xf32>
    %reduce_min3A_278 = vector.multi_reduction <minimumf>, %select_n3A_276, %reduce_min3A_277 [1] : vector<512x2048xf32> to vector<512xf32>
    %broadcast_in_dim3A_279 = vector.shape_cast %reduce_min3A_278 : vector<512xf32> to vector<512x1xf32>
    %eq3A_280 = vector.broadcast %broadcast_in_dim3A_279 : vector<512x1xf32> to vector<512x2048xf32>
    %eq3A_281 = arith.cmpf oeq, %convert_element_type3A, %eq3A_280 : vector<512x2048xf32>
    %jit3A_282 = arith.constant 0x7F800000 : f32
    %broadcast_in_dim3A_283 = vector.broadcast %jit3A_282 : f32 to vector<512x2048xf32>
    %select_n3A_284 = arith.select %eq3A_281, %broadcast_in_dim3A_283, %select_n3A_263 : vector<512x2048xi1>, vector<512x2048xf32>
    %convert_element_type3A_285 = arith.fptosi %broadcast_in_dim3A_279 : vector<512x1xf32> to vector<512x1xi32>
    %mul3A_286 = arith.constant 2048 : i32
    %mul3A_287 = arith.muli %arg0, %mul3A_286 : i32
    %add3A_288 = vector.broadcast %mul3A_287 : i32 to vector<512x1xi32>
    %add3A_289 = arith.addi %convert_element_type3A_285, %add3A_288 : vector<512x1xi32>
    %reduce_min3A_290 = arith.constant dense<0x7F800000> : vector<512xf32>
    %reduce_min3A_291 = vector.multi_reduction <minimumf>, %select_n3A_284, %reduce_min3A_290 [1] : vector<512x2048xf32> to vector<512xf32>
    %broadcast_in_dim3A_292 = vector.shape_cast %reduce_min3A_291 : vector<512xf32> to vector<512x1xf32>
    %eq3A_293 = vector.broadcast %broadcast_in_dim3A_292 : vector<512x1xf32> to vector<512x2048xf32>
    %eq3A_294 = arith.cmpf oeq, %select_n3A_284, %eq3A_293 : vector<512x2048xf32>
    %jit3A_295 = arith.constant 2.048000e+03 : f32
    %broadcast_in_dim3A_296 = vector.broadcast %jit3A_295 : f32 to vector<512x2048xf32>
    %select_n3A_297 = arith.select %eq3A_294, %convert_element_type3A, %broadcast_in_dim3A_296 : vector<512x2048xi1>, vector<512x2048xf32>
    %reduce_min3A_298 = arith.constant dense<0x7F800000> : vector<512xf32>
    %reduce_min3A_299 = vector.multi_reduction <minimumf>, %select_n3A_297, %reduce_min3A_298 [1] : vector<512x2048xf32> to vector<512xf32>
    %broadcast_in_dim3A_300 = vector.shape_cast %reduce_min3A_299 : vector<512xf32> to vector<512x1xf32>
    %eq3A_301 = vector.broadcast %broadcast_in_dim3A_300 : vector<512x1xf32> to vector<512x2048xf32>
    %eq3A_302 = arith.cmpf oeq, %convert_element_type3A, %eq3A_301 : vector<512x2048xf32>
    %jit3A_303 = arith.constant 0x7F800000 : f32
    %broadcast_in_dim3A_304 = vector.broadcast %jit3A_303 : f32 to vector<512x2048xf32>
    %select_n3A_305 = arith.select %eq3A_302, %broadcast_in_dim3A_304, %select_n3A_284 : vector<512x2048xi1>, vector<512x2048xf32>
    %convert_element_type3A_306 = arith.fptosi %broadcast_in_dim3A_300 : vector<512x1xf32> to vector<512x1xi32>
    %mul3A_307 = arith.constant 2048 : i32
    %mul3A_308 = arith.muli %arg0, %mul3A_307 : i32
    %add3A_309 = vector.broadcast %mul3A_308 : i32 to vector<512x1xi32>
    %add3A_310 = arith.addi %convert_element_type3A_306, %add3A_309 : vector<512x1xi32>
    %reduce_min3A_311 = arith.constant dense<0x7F800000> : vector<512xf32>
    %reduce_min3A_312 = vector.multi_reduction <minimumf>, %select_n3A_305, %reduce_min3A_311 [1] : vector<512x2048xf32> to vector<512xf32>
    %broadcast_in_dim3A_313 = vector.shape_cast %reduce_min3A_312 : vector<512xf32> to vector<512x1xf32>
    %eq3A_314 = vector.broadcast %broadcast_in_dim3A_313 : vector<512x1xf32> to vector<512x2048xf32>
    %eq3A_315 = arith.cmpf oeq, %select_n3A_305, %eq3A_314 : vector<512x2048xf32>
    %jit3A_316 = arith.constant 2.048000e+03 : f32
    %broadcast_in_dim3A_317 = vector.broadcast %jit3A_316 : f32 to vector<512x2048xf32>
    %select_n3A_318 = arith.select %eq3A_315, %convert_element_type3A, %broadcast_in_dim3A_317 : vector<512x2048xi1>, vector<512x2048xf32>
    %reduce_min3A_319 = arith.constant dense<0x7F800000> : vector<512xf32>
    %reduce_min3A_320 = vector.multi_reduction <minimumf>, %select_n3A_318, %reduce_min3A_319 [1] : vector<512x2048xf32> to vector<512xf32>
    %broadcast_in_dim3A_321 = vector.shape_cast %reduce_min3A_320 : vector<512xf32> to vector<512x1xf32>
    %eq3A_322 = vector.broadcast %broadcast_in_dim3A_321 : vector<512x1xf32> to vector<512x2048xf32>
    %eq3A_323 = arith.cmpf oeq, %convert_element_type3A, %eq3A_322 : vector<512x2048xf32>
    %jit3A_324 = arith.constant 0x7F800000 : f32
    %broadcast_in_dim3A_325 = vector.broadcast %jit3A_324 : f32 to vector<512x2048xf32>
    %select_n3A_326 = arith.select %eq3A_323, %broadcast_in_dim3A_325, %select_n3A_305 : vector<512x2048xi1>, vector<512x2048xf32>
    %convert_element_type3A_327 = arith.fptosi %broadcast_in_dim3A_321 : vector<512x1xf32> to vector<512x1xi32>
    %mul3A_328 = arith.constant 2048 : i32
    %mul3A_329 = arith.muli %arg0, %mul3A_328 : i32
    %add3A_330 = vector.broadcast %mul3A_329 : i32 to vector<512x1xi32>
    %add3A_331 = arith.addi %convert_element_type3A_327, %add3A_330 : vector<512x1xi32>
    %reduce_min3A_332 = arith.constant dense<0x7F800000> : vector<512xf32>
    %reduce_min3A_333 = vector.multi_reduction <minimumf>, %select_n3A_326, %reduce_min3A_332 [1] : vector<512x2048xf32> to vector<512xf32>
    %broadcast_in_dim3A_334 = vector.shape_cast %reduce_min3A_333 : vector<512xf32> to vector<512x1xf32>
    %eq3A_335 = vector.broadcast %broadcast_in_dim3A_334 : vector<512x1xf32> to vector<512x2048xf32>
    %eq3A_336 = arith.cmpf oeq, %select_n3A_326, %eq3A_335 : vector<512x2048xf32>
    %jit3A_337 = arith.constant 2.048000e+03 : f32
    %broadcast_in_dim3A_338 = vector.broadcast %jit3A_337 : f32 to vector<512x2048xf32>
    %select_n3A_339 = arith.select %eq3A_336, %convert_element_type3A, %broadcast_in_dim3A_338 : vector<512x2048xi1>, vector<512x2048xf32>
    %reduce_min3A_340 = arith.constant dense<0x7F800000> : vector<512xf32>
    %reduce_min3A_341 = vector.multi_reduction <minimumf>, %select_n3A_339, %reduce_min3A_340 [1] : vector<512x2048xf32> to vector<512xf32>
    %broadcast_in_dim3A_342 = vector.shape_cast %reduce_min3A_341 : vector<512xf32> to vector<512x1xf32>
    %convert_element_type3A_343 = arith.fptosi %broadcast_in_dim3A_342 : vector<512x1xf32> to vector<512x1xi32>
    %mul3A_344 = arith.constant 2048 : i32
    %mul3A_345 = arith.muli %arg0, %mul3A_344 : i32
    %add3A_346 = vector.broadcast %mul3A_345 : i32 to vector<512x1xi32>
    %add3A_347 = arith.addi %convert_element_type3A_343, %add3A_346 : vector<512x1xi32>
    %concatenate3A = tpu.concatenate %add3A_37, %add3A_58, %add3A_79, %add3A_100, %add3A_121, %add3A_142, %add3A_163, %add3A_184, %add3A_205, %add3A_226, %add3A_247, %add3A_268, %add3A_289, %add3A_310, %add3A_331, %add3A_347 in 1 : vector<512x1xi32>, vector<512x1xi32>, vector<512x1xi32>, vector<512x1xi32>, vector<512x1xi32>, vector<512x1xi32>, vector<512x1xi32>, vector<512x1xi32>, vector<512x1xi32>, vector<512x1xi32>, vector<512x1xi32>, vector<512x1xi32>, vector<512x1xi32>, vector<512x1xi32>, vector<512x1xi32>, vector<512x1xi32> -> vector<512x16xi32>
    %swap3A = arith.constant 0 : index
    %swap3A_348 = arith.constant 0 : index
    %swap3A_349 = arith.constant 0 : index
    %swap3A_350 = vector.load %arg3[%swap3A, %swap3A_348, %swap3A_349] : memref<1x512x16xi32, #tpu.memory_space<vmem>>, vector<1x512x16xi32>
    %swap3A_351 = vector.shape_cast %swap3A_350 : vector<1x512x16xi32> to vector<512x16xi32>
    %swap3A_352 = vector.shape_cast %concatenate3A : vector<512x16xi32> to vector<1x512x16xi32>
    tpu.vector_store %arg3[%swap3A, %swap3A_348, %swap3A_349], %swap3A_352 {strides = array<i32>} : memref<1x512x16xi32, #tpu.memory_space<vmem>>, vector<1x512x16xi32>,
    return
  }
  func.func @transform_0(%arg0: i32, %arg1: i32) -> (i32, i32, i32) {
    %c0_i32 = arith.constant 0 : i32
    %c0_i32_0 = arith.constant 0 : i32
    %c0_i32_1 = arith.constant 0 : i32
    return %arg0, %c0_i32, %c0_i32_0 : i32, i32, i32
  }
  func.func @transform_1(%arg0: i32, %arg1: i32) -> (i32, i32, i32) {
    %c0_i32 = arith.constant 0 : i32
    %c0_i32_0 = arith.constant 0 : i32
    return %arg0, %arg1, %c0_i32 : i32, i32, i32
  }
}

module attributes {stable_mosaic.version = 14 : i64} {
  func.func @_tables_body(%arg0: i32, %arg1: memref<1x128x2048xf32, #tpu.memory_space<vmem>>, %arg2: memref<1x3x2048xf32, #tpu.memory_space<vmem>>, %arg3: memref<128x128xf32, #tpu.memory_space<vmem>>, %arg4: memref<1x128xf32, #tpu.memory_space<vmem>>, %arg5: memref<64x3xf32, #tpu.memory_space<vmem>>, %arg6: memref<16x3xf32, #tpu.memory_space<vmem>>, %arg7: memref<1x2048x128xf32, #tpu.memory_space<vmem>>, %arg8: memref<1x2048x128xf32, #tpu.memory_space<vmem>>) attributes {dimension_semantics = [#tpu.dimension_semantics<arbitrary>], iteration_bounds = array<i64: 8>, scalar_prefetch = 0 : i64, scratch_operands = 0 : i64, tpu.core_type = #tpu.core_type<tc>, window_params = [{transform_indices = @transform_0, window_bounds = array<i64: 1, 128, 2048>}, {transform_indices = @transform_1, window_bounds = array<i64: 1, 3, 2048>}, {pipeline_mode = #tpu.pipeline_mode<synchronous>, transform_indices = @transform_2, window_bounds = array<i64: 128, 128>}, {pipeline_mode = #tpu.pipeline_mode<synchronous>, transform_indices = @transform_3, window_bounds = array<i64: 1, 128>}, {pipeline_mode = #tpu.pipeline_mode<synchronous>, transform_indices = @transform_4, window_bounds = array<i64: 64, 3>}, {pipeline_mode = #tpu.pipeline_mode<synchronous>, transform_indices = @transform_5, window_bounds = array<i64: 16, 3>}, {transform_indices = @transform_6, window_bounds = array<i64: 1, 2048, 128>}, {transform_indices = @transform_7, window_bounds = array<i64: 1, 2048, 128>}]} {
    %get3A = arith.constant 0 : index
    %get3A_0 = arith.constant 0 : index
    %get3A_1 = arith.constant 0 : index
    %get3A_2 = vector.load %arg1[%get3A, %get3A_0, %get3A_1] : memref<1x128x2048xf32, #tpu.memory_space<vmem>>, vector<1x128x2048xf32>
    %get3A_3 = vector.shape_cast %get3A_2 : vector<1x128x2048xf32> to vector<128x2048xf32>
    %get3A_4 = arith.constant 0 : index
    %get3A_5 = arith.constant 0 : index
    %get3A_6 = arith.constant 0 : index
    %get3A_7 = vector.load %arg2[%get3A_4, %get3A_5, %get3A_6] : memref<1x3x2048xf32, #tpu.memory_space<vmem>>, vector<1x3x2048xf32>
    %get3A_8 = vector.shape_cast %get3A_7 : vector<1x3x2048xf32> to vector<3x2048xf32>
    %get3A_9 = arith.constant 0 : index
    %get3A_10 = arith.constant 0 : index
    %get3A_11 = vector.load %arg3[%get3A_9, %get3A_10] : memref<128x128xf32, #tpu.memory_space<vmem>>, vector<128x128xf32>
    %dot_general3A = arith.constant dense<0.000000e+00> : vector<2048x128xf32>
    %dot_general3A_12 = tpu.matmul %get3A_3, %get3A_11, %dot_general3A {dimension_numbers = #tpu.dot_dimension_numbers<[0], [1], [1], [0], [0, 1, 1, 0], [], []>, precision = #tpu.contract_precision<fp32>, transpose_lhs_hint = false} : vector<128x2048xf32>, vector<128x128xf32>, vector<2048x128xf32> -> vector<2048x128xf32>
    %get3A_13 = arith.constant 0 : index
    %get3A_14 = arith.constant 0 : index
    %get3A_15 = vector.load %arg4[%get3A_13, %get3A_14] : memref<1x128xf32, #tpu.memory_space<vmem>>, vector<1x128xf32>
    %add3A = vector.broadcast %get3A_15 : vector<1x128xf32> to vector<2048x128xf32>
    %add3A_16 = arith.addf %dot_general3A_12, %add3A : vector<2048x128xf32>
    %swap3A = arith.constant 0 : index
    %swap3A_17 = arith.constant 0 : index
    %swap3A_18 = arith.constant 0 : index
    %swap3A_19 = vector.load %arg7[%swap3A, %swap3A_17, %swap3A_18] : memref<1x2048x128xf32, #tpu.memory_space<vmem>>, vector<1x2048x128xf32>
    %swap3A_20 = vector.shape_cast %swap3A_19 : vector<1x2048x128xf32> to vector<2048x128xf32>
    %swap3A_21 = vector.shape_cast %add3A_16 : vector<2048x128xf32> to vector<1x2048x128xf32>
    tpu.vector_store %arg7[%swap3A, %swap3A_17, %swap3A_18], %swap3A_21 {strides = array<i32>} : memref<1x2048x128xf32, #tpu.memory_space<vmem>>, vector<1x2048x128xf32>,
    %get3A_22 = arith.constant 0 : index
    %get3A_23 = arith.constant 0 : index
    %get3A_24 = vector.load %arg5[%get3A_22, %get3A_23] : memref<64x3xf32, #tpu.memory_space<vmem>>, vector<64x3xf32>
    %dot_general3A_25 = arith.constant dense<0.000000e+00> : vector<2048x64xf32>
    %dot_general3A_26 = tpu.matmul %get3A_8, %get3A_24, %dot_general3A_25 {dimension_numbers = #tpu.dot_dimension_numbers<[0], [1], [1], [0], [0, 1, 1, 0], [], []>, precision = #tpu.contract_precision<fp32>, transpose_lhs_hint = false} : vector<3x2048xf32>, vector<64x3xf32>, vector<2048x64xf32> -> vector<2048x64xf32>
    %get3A_27 = arith.constant 0 : index
    %get3A_28 = arith.constant 0 : index
    %get3A_29 = vector.load %arg6[%get3A_27, %get3A_28] : memref<16x3xf32, #tpu.memory_space<vmem>>, vector<16x3xf32>
    %dot_general3A_30 = arith.constant dense<0.000000e+00> : vector<2048x16xf32>
    %dot_general3A_31 = tpu.matmul %get3A_8, %get3A_29, %dot_general3A_30 {dimension_numbers = #tpu.dot_dimension_numbers<[0], [1], [1], [0], [0, 1, 1, 0], [], []>, precision = #tpu.contract_precision<fp32>, transpose_lhs_hint = false} : vector<3x2048xf32>, vector<16x3xf32>, vector<2048x16xf32> -> vector<2048x16xf32>
    %broadcast_in_dim3A = arith.constant 0.000000e+00 : f32
    %broadcast_in_dim3A_32 = vector.broadcast %broadcast_in_dim3A : f32 to vector<2048x48xf32>
    %concatenate3A = tpu.concatenate %dot_general3A_26, %dot_general3A_31, %broadcast_in_dim3A_32 in 1 : vector<2048x64xf32>, vector<2048x16xf32>, vector<2048x48xf32> -> vector<2048x128xf32>
    %swap3A_33 = arith.constant 0 : index
    %swap3A_34 = arith.constant 0 : index
    %swap3A_35 = arith.constant 0 : index
    %swap3A_36 = vector.load %arg8[%swap3A_33, %swap3A_34, %swap3A_35] : memref<1x2048x128xf32, #tpu.memory_space<vmem>>, vector<1x2048x128xf32>
    %swap3A_37 = vector.shape_cast %swap3A_36 : vector<1x2048x128xf32> to vector<2048x128xf32>
    %swap3A_38 = vector.shape_cast %concatenate3A : vector<2048x128xf32> to vector<1x2048x128xf32>
    tpu.vector_store %arg8[%swap3A_33, %swap3A_34, %swap3A_35], %swap3A_38 {strides = array<i32>} : memref<1x2048x128xf32, #tpu.memory_space<vmem>>, vector<1x2048x128xf32>,
    return
  }
  func.func @transform_0(%arg0: i32) -> (i32, i32, i32) {
    %c0_i32 = arith.constant 0 : i32
    %c0_i32_0 = arith.constant 0 : i32
    %c0_i32_1 = arith.constant 0 : i32
    return %arg0, %c0_i32, %c0_i32_0 : i32, i32, i32
  }
  func.func @transform_1(%arg0: i32) -> (i32, i32, i32) {
    %c0_i32 = arith.constant 0 : i32
    %c0_i32_0 = arith.constant 0 : i32
    %c0_i32_1 = arith.constant 0 : i32
    return %arg0, %c0_i32, %c0_i32_0 : i32, i32, i32
  }
  func.func @transform_2(%arg0: i32) -> (i32, i32) {
    %c0_i32 = arith.constant 0 : i32
    %c0_i32_0 = arith.constant 0 : i32
    %c0_i32_1 = arith.constant 0 : i32
    return %c0_i32, %c0_i32_0 : i32, i32
  }
  func.func @transform_3(%arg0: i32) -> (i32, i32) {
    %c0_i32 = arith.constant 0 : i32
    %c0_i32_0 = arith.constant 0 : i32
    %c0_i32_1 = arith.constant 0 : i32
    return %c0_i32, %c0_i32_0 : i32, i32
  }
  func.func @transform_4(%arg0: i32) -> (i32, i32) {
    %c0_i32 = arith.constant 0 : i32
    %c0_i32_0 = arith.constant 0 : i32
    %c0_i32_1 = arith.constant 0 : i32
    return %c0_i32, %c0_i32_0 : i32, i32
  }
  func.func @transform_5(%arg0: i32) -> (i32, i32) {
    %c0_i32 = arith.constant 0 : i32
    %c0_i32_0 = arith.constant 0 : i32
    %c0_i32_1 = arith.constant 0 : i32
    return %c0_i32, %c0_i32_0 : i32, i32
  }
  func.func @transform_6(%arg0: i32) -> (i32, i32, i32) {
    %c0_i32 = arith.constant 0 : i32
    %c0_i32_0 = arith.constant 0 : i32
    %c0_i32_1 = arith.constant 0 : i32
    return %arg0, %c0_i32, %c0_i32_0 : i32, i32, i32
  }
  func.func @transform_7(%arg0: i32) -> (i32, i32, i32) {
    %c0_i32 = arith.constant 0 : i32
    %c0_i32_0 = arith.constant 0 : i32
    %c0_i32_1 = arith.constant 0 : i32
    return %arg0, %c0_i32, %c0_i32_0 : i32, i32, i32
  }
}

module attributes {stable_mosaic.version = 14 : i64} {
  func.func @_stats1_body(%arg0: i32, %arg1: memref<256x16x128xf32, #tpu.memory_space<vmem>>, %arg2: memref<256x1x128xf32, #tpu.memory_space<vmem>>, %arg3: memref<1x1x64xf32, #tpu.memory_space<vmem>>, %arg4: memref<1x1x16xf32, #tpu.memory_space<vmem>>, %arg5: memref<1x64xf32, #tpu.memory_space<vmem>>, %arg6: memref<1x64xf32, #tpu.memory_space<vmem>>, %arg7: memref<1x16xf32, #tpu.memory_space<vmem>>, %arg8: memref<1x16xf32, #tpu.memory_space<vmem>>) attributes {dimension_semantics = [#tpu.dimension_semantics<arbitrary>], iteration_bounds = array<i64: 64>, scalar_prefetch = 0 : i64, scratch_operands = 0 : i64, tpu.core_type = #tpu.core_type<tc>, window_params = [{transform_indices = @transform_0, window_bounds = array<i64: 256, 16, 128>}, {transform_indices = @transform_1, window_bounds = array<i64: 256, 1, 128>}, {pipeline_mode = #tpu.pipeline_mode<synchronous>, transform_indices = @transform_2, window_bounds = array<i64: 1, 1, 64>}, {pipeline_mode = #tpu.pipeline_mode<synchronous>, transform_indices = @transform_3, window_bounds = array<i64: 1, 1, 16>}, {pipeline_mode = #tpu.pipeline_mode<synchronous>, transform_indices = @transform_4, window_bounds = array<i64: 1, 64>}, {pipeline_mode = #tpu.pipeline_mode<synchronous>, transform_indices = @transform_5, window_bounds = array<i64: 1, 64>}, {pipeline_mode = #tpu.pipeline_mode<synchronous>, transform_indices = @transform_6, window_bounds = array<i64: 1, 16>}, {pipeline_mode = #tpu.pipeline_mode<synchronous>, transform_indices = @transform_7, window_bounds = array<i64: 1, 16>}]} {
    %eq3A = arith.constant 0 : i32
    %eq3A_0 = arith.cmpi eq, %arg0, %eq3A : i32
    %convert_element_type3A = arith.extui %eq3A_0 : i1 to i32
    %cond3A = arith.constant 0 : i32
    %cond3A_1 = arith.cmpi ne, %convert_element_type3A, %cond3A : i32
    scf.if %cond3A_1 {
      %broadcast_in_dim3A_68 = arith.constant 0.000000e+00 : f32
      %broadcast_in_dim3A_69 = vector.broadcast %broadcast_in_dim3A_68 : f32 to vector<1x64xf32>
      %swap3A_70 = arith.constant 0 : index
      %swap3A_71 = arith.constant 0 : index
      %swap3A_72 = vector.load %arg5[%swap3A_70, %swap3A_71] : memref<1x64xf32, #tpu.memory_space<vmem>>, vector<1x64xf32>
      tpu.vector_store %arg5[%swap3A_70, %swap3A_71], %broadcast_in_dim3A_69 {strides = array<i32>} : memref<1x64xf32, #tpu.memory_space<vmem>>, vector<1x64xf32>,
      %broadcast_in_dim3A_73 = arith.constant 0.000000e+00 : f32
      %broadcast_in_dim3A_74 = vector.broadcast %broadcast_in_dim3A_73 : f32 to vector<1x64xf32>
      %swap3A_75 = arith.constant 0 : index
      %swap3A_76 = arith.constant 0 : index
      %swap3A_77 = vector.load %arg6[%swap3A_75, %swap3A_76] : memref<1x64xf32, #tpu.memory_space<vmem>>, vector<1x64xf32>
      tpu.vector_store %arg6[%swap3A_75, %swap3A_76], %broadcast_in_dim3A_74 {strides = array<i32>} : memref<1x64xf32, #tpu.memory_space<vmem>>, vector<1x64xf32>,
      %broadcast_in_dim3A_78 = arith.constant 0.000000e+00 : f32
      %broadcast_in_dim3A_79 = vector.broadcast %broadcast_in_dim3A_78 : f32 to vector<1x16xf32>
      %swap3A_80 = arith.constant 0 : index
      %swap3A_81 = arith.constant 0 : index
      %swap3A_82 = vector.load %arg7[%swap3A_80, %swap3A_81] : memref<1x16xf32, #tpu.memory_space<vmem>>, vector<1x16xf32>
      tpu.vector_store %arg7[%swap3A_80, %swap3A_81], %broadcast_in_dim3A_79 {strides = array<i32>} : memref<1x16xf32, #tpu.memory_space<vmem>>, vector<1x16xf32>,
      %broadcast_in_dim3A_83 = arith.constant 0.000000e+00 : f32
      %broadcast_in_dim3A_84 = vector.broadcast %broadcast_in_dim3A_83 : f32 to vector<1x16xf32>
      %swap3A_85 = arith.constant 0 : index
      %swap3A_86 = arith.constant 0 : index
      %swap3A_87 = vector.load %arg8[%swap3A_85, %swap3A_86] : memref<1x16xf32, #tpu.memory_space<vmem>>, vector<1x16xf32>
      tpu.vector_store %arg8[%swap3A_85, %swap3A_86], %broadcast_in_dim3A_84 {strides = array<i32>} : memref<1x16xf32, #tpu.memory_space<vmem>>, vector<1x16xf32>,
    } else {
    }
    %get3A = arith.constant 0 : index
    %get3A_2 = arith.constant 0 : index
    %get3A_3 = arith.constant 0 : index
    %get3A_4 = vector.load %arg1[%get3A, %get3A_2, %get3A_3] : memref<256x16x128xf32, #tpu.memory_space<vmem>>, vector<256x16x128xf32>
    %get3A_5 = arith.constant 0 : index
    %get3A_6 = arith.constant 0 : index
    %get3A_7 = arith.constant 0 : index
    %get3A_8 = vector.load %arg2[%get3A_5, %get3A_6, %get3A_7] : memref<256x1x128xf32, #tpu.memory_space<vmem>>, vector<256x1x128xf32>
    %sub3A = vector.broadcast %get3A_8 : vector<256x1x128xf32> to vector<256x16x128xf32>
    %sub3A_9 = arith.subf %get3A_4, %sub3A : vector<256x16x128xf32>
    %slice3A = vector.extract_strided_slice %sub3A_9 {offsets = [0, 0, 0], sizes = [256, 16, 64], strides = [1, 1, 1]} : vector<256x16x128xf32> to vector<256x16x64xf32>
    %get3A_10 = arith.constant 0 : index
    %get3A_11 = arith.constant 0 : index
    %get3A_12 = arith.constant 0 : index
    %get3A_13 = vector.load %arg3[%get3A_10, %get3A_11, %get3A_12] : memref<1x1x64xf32, #tpu.memory_space<vmem>>, vector<1x1x64xf32>
    %add3A = vector.broadcast %get3A_13 : vector<1x1x64xf32> to vector<256x16x64xf32>
    %add3A_14 = arith.addf %slice3A, %add3A : vector<256x16x64xf32>
    %slice3A_15 = vector.extract_strided_slice %sub3A_9 {offsets = [0, 0, 64], sizes = [256, 16, 16], strides = [1, 1, 1]} : vector<256x16x128xf32> to vector<256x16x16xf32>
    %get3A_16 = arith.constant 0 : index
    %get3A_17 = arith.constant 0 : index
    %get3A_18 = arith.constant 0 : index
    %get3A_19 = vector.load %arg4[%get3A_16, %get3A_17, %get3A_18] : memref<1x1x16xf32, #tpu.memory_space<vmem>>, vector<1x1x16xf32>
    %add3A_20 = vector.broadcast %get3A_19 : vector<1x1x16xf32> to vector<256x16x16xf32>
    %add3A_21 = arith.addf %slice3A_15, %add3A_20 : vector<256x16x16xf32>
    %get3A_22 = arith.constant 0 : index
    %get3A_23 = arith.constant 0 : index
    %get3A_24 = vector.load %arg5[%get3A_22, %get3A_23] : memref<1x64xf32, #tpu.memory_space<vmem>>, vector<1x64xf32>
    %reduce_sum3A = arith.constant dense<0.000000e+00> : vector<16x64xf32>
    %reduce_sum3A_25 = vector.multi_reduction <add>, %add3A_14, %reduce_sum3A [0] : vector<256x16x64xf32> to vector<16x64xf32>
    %reduce_sum3A_26 = arith.constant dense<0.000000e+00> : vector<64xf32>
    %reduce_sum3A_27 = vector.multi_reduction <add>, %reduce_sum3A_25, %reduce_sum3A_26 [0] : vector<16x64xf32> to vector<64xf32>
    %broadcast_in_dim3A = vector.shape_cast %reduce_sum3A_27 : vector<64xf32> to vector<1x64xf32>
    %add3A_28 = arith.addf %get3A_24, %broadcast_in_dim3A : vector<1x64xf32>
    %swap3A = arith.constant 0 : index
    %swap3A_29 = arith.constant 0 : index
    %swap3A_30 = vector.load %arg5[%swap3A, %swap3A_29] : memref<1x64xf32, #tpu.memory_space<vmem>>, vector<1x64xf32>
    tpu.vector_store %arg5[%swap3A, %swap3A_29], %add3A_28 {strides = array<i32>} : memref<1x64xf32, #tpu.memory_space<vmem>>, vector<1x64xf32>,
    %get3A_31 = arith.constant 0 : index
    %get3A_32 = arith.constant 0 : index
    %get3A_33 = vector.load %arg6[%get3A_31, %get3A_32] : memref<1x64xf32, #tpu.memory_space<vmem>>, vector<1x64xf32>
    %mul3A = arith.mulf %add3A_14, %add3A_14 : vector<256x16x64xf32>
    %reduce_sum3A_34 = arith.constant dense<0.000000e+00> : vector<16x64xf32>
    %reduce_sum3A_35 = vector.multi_reduction <add>, %mul3A, %reduce_sum3A_34 [0] : vector<256x16x64xf32> to vector<16x64xf32>
    %reduce_sum3A_36 = arith.constant dense<0.000000e+00> : vector<64xf32>
    %reduce_sum3A_37 = vector.multi_reduction <add>, %reduce_sum3A_35, %reduce_sum3A_36 [0] : vector<16x64xf32> to vector<64xf32>
    %broadcast_in_dim3A_38 = vector.shape_cast %reduce_sum3A_37 : vector<64xf32> to vector<1x64xf32>
    %add3A_39 = arith.addf %get3A_33, %broadcast_in_dim3A_38 : vector<1x64xf32>
    %swap3A_40 = arith.constant 0 : index
    %swap3A_41 = arith.constant 0 : index
    %swap3A_42 = vector.load %arg6[%swap3A_40, %swap3A_41] : memref<1x64xf32, #tpu.memory_space<vmem>>, vector<1x64xf32>
    tpu.vector_store %arg6[%swap3A_40, %swap3A_41], %add3A_39 {strides = array<i32>} : memref<1x64xf32, #tpu.memory_space<vmem>>, vector<1x64xf32>,
    %get3A_43 = arith.constant 0 : index
    %get3A_44 = arith.constant 0 : index
    %get3A_45 = vector.load %arg7[%get3A_43, %get3A_44] : memref<1x16xf32, #tpu.memory_space<vmem>>, vector<1x16xf32>
    %reduce_sum3A_46 = arith.constant dense<0.000000e+00> : vector<16x16xf32>
    %reduce_sum3A_47 = vector.multi_reduction <add>, %add3A_21, %reduce_sum3A_46 [0] : vector<256x16x16xf32> to vector<16x16xf32>
    %reduce_sum3A_48 = arith.constant dense<0.000000e+00> : vector<16xf32>
    %reduce_sum3A_49 = vector.multi_reduction <add>, %reduce_sum3A_47, %reduce_sum3A_48 [0] : vector<16x16xf32> to vector<16xf32>
    %broadcast_in_dim3A_50 = vector.shape_cast %reduce_sum3A_49 : vector<16xf32> to vector<1x16xf32>
    %add3A_51 = arith.addf %get3A_45, %broadcast_in_dim3A_50 : vector<1x16xf32>
    %swap3A_52 = arith.constant 0 : index
    %swap3A_53 = arith.constant 0 : index
    %swap3A_54 = vector.load %arg7[%swap3A_52, %swap3A_53] : memref<1x16xf32, #tpu.memory_space<vmem>>, vector<1x16xf32>
    tpu.vector_store %arg7[%swap3A_52, %swap3A_53], %add3A_51 {strides = array<i32>} : memref<1x16xf32, #tpu.memory_space<vmem>>, vector<1x16xf32>,
    %get3A_55 = arith.constant 0 : index
    %get3A_56 = arith.constant 0 : index
    %get3A_57 = vector.load %arg8[%get3A_55, %get3A_56] : memref<1x16xf32, #tpu.memory_space<vmem>>, vector<1x16xf32>
    %mul3A_58 = arith.mulf %add3A_21, %add3A_21 : vector<256x16x16xf32>
    %reduce_sum3A_59 = arith.constant dense<0.000000e+00> : vector<16x16xf32>
    %reduce_sum3A_60 = vector.multi_reduction <add>, %mul3A_58, %reduce_sum3A_59 [0] : vector<256x16x16xf32> to vector<16x16xf32>
    %reduce_sum3A_61 = arith.constant dense<0.000000e+00> : vector<16xf32>
    %reduce_sum3A_62 = vector.multi_reduction <add>, %reduce_sum3A_60, %reduce_sum3A_61 [0] : vector<16x16xf32> to vector<16xf32>
    %broadcast_in_dim3A_63 = vector.shape_cast %reduce_sum3A_62 : vector<16xf32> to vector<1x16xf32>
    %add3A_64 = arith.addf %get3A_57, %broadcast_in_dim3A_63 : vector<1x16xf32>
    %swap3A_65 = arith.constant 0 : index
    %swap3A_66 = arith.constant 0 : index
    %swap3A_67 = vector.load %arg8[%swap3A_65, %swap3A_66] : memref<1x16xf32, #tpu.memory_space<vmem>>, vector<1x16xf32>
    tpu.vector_store %arg8[%swap3A_65, %swap3A_66], %add3A_64 {strides = array<i32>} : memref<1x16xf32, #tpu.memory_space<vmem>>, vector<1x16xf32>,
    return
  }
  func.func @transform_0(%arg0: i32) -> (i32, i32, i32) {
    %c0_i32 = arith.constant 0 : i32
    %c0_i32_0 = arith.constant 0 : i32
    %c0_i32_1 = arith.constant 0 : i32
    return %arg0, %c0_i32, %c0_i32_0 : i32, i32, i32
  }
  func.func @transform_1(%arg0: i32) -> (i32, i32, i32) {
    %c0_i32 = arith.constant 0 : i32
    %c0_i32_0 = arith.constant 0 : i32
    %c0_i32_1 = arith.constant 0 : i32
    return %arg0, %c0_i32, %c0_i32_0 : i32, i32, i32
  }
  func.func @transform_2(%arg0: i32) -> (i32, i32, i32) {
    %c0_i32 = arith.constant 0 : i32
    %c0_i32_0 = arith.constant 0 : i32
    %c0_i32_1 = arith.constant 0 : i32
    %c0_i32_2 = arith.constant 0 : i32
    return %c0_i32, %c0_i32_0, %c0_i32_1 : i32, i32, i32
  }
  func.func @transform_3(%arg0: i32) -> (i32, i32, i32) {
    %c0_i32 = arith.constant 0 : i32
    %c0_i32_0 = arith.constant 0 : i32
    %c0_i32_1 = arith.constant 0 : i32
    %c0_i32_2 = arith.constant 0 : i32
    return %c0_i32, %c0_i32_0, %c0_i32_1 : i32, i32, i32
  }
  func.func @transform_4(%arg0: i32) -> (i32, i32) {
    %c0_i32 = arith.constant 0 : i32
    %c0_i32_0 = arith.constant 0 : i32
    %c0_i32_1 = arith.constant 0 : i32
    return %c0_i32, %c0_i32_0 : i32, i32
  }
  func.func @transform_5(%arg0: i32) -> (i32, i32) {
    %c0_i32 = arith.constant 0 : i32
    %c0_i32_0 = arith.constant 0 : i32
    %c0_i32_1 = arith.constant 0 : i32
    return %c0_i32, %c0_i32_0 : i32, i32
  }
  func.func @transform_6(%arg0: i32) -> (i32, i32) {
    %c0_i32 = arith.constant 0 : i32
    %c0_i32_0 = arith.constant 0 : i32
    %c0_i32_1 = arith.constant 0 : i32
    return %c0_i32, %c0_i32_0 : i32, i32
  }
  func.func @transform_7(%arg0: i32) -> (i32, i32) {
    %c0_i32 = arith.constant 0 : i32
    %c0_i32_0 = arith.constant 0 : i32
    %c0_i32_1 = arith.constant 0 : i32
    return %c0_i32, %c0_i32_0 : i32, i32
  }
}

module attributes {stable_mosaic.version = 14 : i64} {
  func.func @_stats2_body(%arg0: i32, %arg1: memref<256x16x128xf32, #tpu.memory_space<vmem>>, %arg2: memref<256x16x128xf32, #tpu.memory_space<vmem>>, %arg3: memref<256x1x128xf32, #tpu.memory_space<vmem>>, %arg4: memref<1x1x64xf32, #tpu.memory_space<vmem>>, %arg5: memref<1x1x64xf32, #tpu.memory_space<vmem>>, %arg6: memref<1x1x64xf32, #tpu.memory_space<vmem>>, %arg7: memref<1x64xf32, #tpu.memory_space<vmem>>, %arg8: memref<1x64xf32, #tpu.memory_space<vmem>>, %arg9: memref<128x64xf32, #tpu.memory_space<vmem>>, %arg10: memref<1x128xf32, #tpu.memory_space<vmem>>, %arg11: memref<1x128xf32, #tpu.memory_space<vmem>>) attributes {dimension_semantics = [#tpu.dimension_semantics<arbitrary>], iteration_bounds = array<i64: 64>, scalar_prefetch = 0 : i64, scratch_operands = 0 : i64, tpu.core_type = #tpu.core_type<tc>, window_params = [{transform_indices = @transform_0, window_bounds = array<i64: 256, 16, 128>}, {transform_indices = @transform_1, window_bounds = array<i64: 256, 16, 128>}, {transform_indices = @transform_2, window_bounds = array<i64: 256, 1, 128>}, {pipeline_mode = #tpu.pipeline_mode<synchronous>, transform_indices = @transform_3, window_bounds = array<i64: 1, 1, 64>}, {pipeline_mode = #tpu.pipeline_mode<synchronous>, transform_indices = @transform_4, window_bounds = array<i64: 1, 1, 64>}, {pipeline_mode = #tpu.pipeline_mode<synchronous>, transform_indices = @transform_5, window_bounds = array<i64: 1, 1, 64>}, {pipeline_mode = #tpu.pipeline_mode<synchronous>, transform_indices = @transform_6, window_bounds = array<i64: 1, 64>}, {pipeline_mode = #tpu.pipeline_mode<synchronous>, transform_indices = @transform_7, window_bounds = array<i64: 1, 64>}, {pipeline_mode = #tpu.pipeline_mode<synchronous>, transform_indices = @transform_8, window_bounds = array<i64: 128, 64>}, {pipeline_mode = #tpu.pipeline_mode<synchronous>, transform_indices = @transform_9, window_bounds = array<i64: 1, 128>}, {pipeline_mode = #tpu.pipeline_mode<synchronous>, transform_indices = @transform_10, window_bounds = array<i64: 1, 128>}]} {
    %eq3A = arith.constant 0 : i32
    %eq3A_0 = arith.cmpi eq, %arg0, %eq3A : i32
    %convert_element_type3A = arith.extui %eq3A_0 : i1 to i32
    %cond3A = arith.constant 0 : i32
    %cond3A_1 = arith.cmpi ne, %convert_element_type3A, %cond3A : i32
    scf.if %cond3A_1 {
      %broadcast_in_dim3A_80 = arith.constant 0.000000e+00 : f32
      %broadcast_in_dim3A_81 = vector.broadcast %broadcast_in_dim3A_80 : f32 to vector<1x128xf32>
      %swap3A_82 = arith.constant 0 : index
      %swap3A_83 = arith.constant 0 : index
      %swap3A_84 = vector.load %arg10[%swap3A_82, %swap3A_83] : memref<1x128xf32, #tpu.memory_space<vmem>>, vector<1x128xf32>
      tpu.vector_store %arg10[%swap3A_82, %swap3A_83], %broadcast_in_dim3A_81 {strides = array<i32>} : memref<1x128xf32, #tpu.memory_space<vmem>>, vector<1x128xf32>,
      %broadcast_in_dim3A_85 = arith.constant 0.000000e+00 : f32
      %broadcast_in_dim3A_86 = vector.broadcast %broadcast_in_dim3A_85 : f32 to vector<1x128xf32>
      %swap3A_87 = arith.constant 0 : index
      %swap3A_88 = arith.constant 0 : index
      %swap3A_89 = vector.load %arg11[%swap3A_87, %swap3A_88] : memref<1x128xf32, #tpu.memory_space<vmem>>, vector<1x128xf32>
      tpu.vector_store %arg11[%swap3A_87, %swap3A_88], %broadcast_in_dim3A_86 {strides = array<i32>} : memref<1x128xf32, #tpu.memory_space<vmem>>, vector<1x128xf32>,
    } else {
    }
    %get3A = arith.constant 0 : index
    %get3A_2 = arith.constant 0 : index
    %get3A_3 = vector.load %arg7[%get3A, %get3A_2] : memref<1x64xf32, #tpu.memory_space<vmem>>, vector<1x64xf32>
    %broadcast_in_dim3A = vector.shape_cast %get3A_3 : vector<1x64xf32> to vector<1x1x64xf32>
    %get3A_4 = arith.constant 0 : index
    %get3A_5 = arith.constant 0 : index
    %get3A_6 = vector.load %arg8[%get3A_4, %get3A_5] : memref<1x64xf32, #tpu.memory_space<vmem>>, vector<1x64xf32>
    %broadcast_in_dim3A_7 = vector.shape_cast %get3A_6 : vector<1x64xf32> to vector<1x1x64xf32>
    %div3A = arith.constant 2.621440e+05 : f32
    %div3A_8 = vector.broadcast %div3A : f32 to vector<1x1x64xf32>
    %div3A_9 = arith.divf %broadcast_in_dim3A, %div3A_8 : vector<1x1x64xf32>
    %div3A_10 = arith.constant 2.621440e+05 : f32
    %div3A_11 = vector.broadcast %div3A_10 : f32 to vector<1x1x64xf32>
    %div3A_12 = arith.divf %broadcast_in_dim3A_7, %div3A_11 : vector<1x1x64xf32>
    %mul3A = arith.mulf %div3A_9, %div3A_9 : vector<1x1x64xf32>
    %sub3A = arith.subf %div3A_12, %mul3A : vector<1x1x64xf32>
    %get3A_13 = arith.constant 0 : index
    %get3A_14 = arith.constant 0 : index
    %get3A_15 = arith.constant 0 : index
    %get3A_16 = vector.load %arg5[%get3A_13, %get3A_14, %get3A_15] : memref<1x1x64xf32, #tpu.memory_space<vmem>>, vector<1x1x64xf32>
    %add3A = arith.constant 9.99999974E-6 : f32
    %add3A_17 = vector.broadcast %add3A : f32 to vector<1x1x64xf32>
    %add3A_18 = arith.addf %sub3A, %add3A_17 : vector<1x1x64xf32>
    %rsqrt3A = math.rsqrt %add3A_18 : vector<1x1x64xf32>
    %mul3A_19 = arith.mulf %get3A_16, %rsqrt3A : vector<1x1x64xf32>
    %get3A_20 = arith.constant 0 : index
    %get3A_21 = arith.constant 0 : index
    %get3A_22 = arith.constant 0 : index
    %get3A_23 = vector.load %arg6[%get3A_20, %get3A_21, %get3A_22] : memref<1x1x64xf32, #tpu.memory_space<vmem>>, vector<1x1x64xf32>
    %mul3A_24 = arith.mulf %div3A_9, %mul3A_19 : vector<1x1x64xf32>
    %sub3A_25 = arith.subf %get3A_23, %mul3A_24 : vector<1x1x64xf32>
    %get3A_26 = arith.constant 0 : index
    %get3A_27 = arith.constant 0 : index
    %get3A_28 = arith.constant 0 : index
    %get3A_29 = vector.load %arg2[%get3A_26, %get3A_27, %get3A_28] : memref<256x16x128xf32, #tpu.memory_space<vmem>>, vector<256x16x128xf32>
    %get3A_30 = arith.constant 0 : index
    %get3A_31 = arith.constant 0 : index
    %get3A_32 = arith.constant 0 : index
    %get3A_33 = vector.load %arg3[%get3A_30, %get3A_31, %get3A_32] : memref<256x1x128xf32, #tpu.memory_space<vmem>>, vector<256x1x128xf32>
    %sub3A_34 = vector.broadcast %get3A_33 : vector<256x1x128xf32> to vector<256x16x128xf32>
    %sub3A_35 = arith.subf %get3A_29, %sub3A_34 : vector<256x16x128xf32>
    %slice3A = vector.extract_strided_slice %sub3A_35 {offsets = [0, 0, 0], sizes = [256, 16, 64], strides = [1, 1, 1]} : vector<256x16x128xf32> to vector<256x16x64xf32>
    %get3A_36 = arith.constant 0 : index
    %get3A_37 = arith.constant 0 : index
    %get3A_38 = arith.constant 0 : index
    %get3A_39 = vector.load %arg4[%get3A_36, %get3A_37, %get3A_38] : memref<1x1x64xf32, #tpu.memory_space<vmem>>, vector<1x1x64xf32>
    %add3A_40 = vector.broadcast %get3A_39 : vector<1x1x64xf32> to vector<256x16x64xf32>
    %add3A_41 = arith.addf %slice3A, %add3A_40 : vector<256x16x64xf32>
    %mul3A_42 = vector.broadcast %mul3A_19 : vector<1x1x64xf32> to vector<256x16x64xf32>
    %mul3A_43 = arith.mulf %add3A_41, %mul3A_42 : vector<256x16x64xf32>
    %add3A_44 = vector.broadcast %sub3A_25 : vector<1x1x64xf32> to vector<256x16x64xf32>
    %add3A_45 = arith.addf %mul3A_43, %add3A_44 : vector<256x16x64xf32>
    %max3A = arith.constant 0.000000e+00 : f32
    %max3A_46 = vector.broadcast %max3A : f32 to vector<256x16x64xf32>
    %max3A_47 = arith.maximumf %add3A_45, %max3A_46 : vector<256x16x64xf32>
    %get3A_48 = arith.constant 0 : index
    %get3A_49 = arith.constant 0 : index
    %get3A_50 = arith.constant 0 : index
    %get3A_51 = vector.load %arg1[%get3A_48, %get3A_49, %get3A_50] : memref<256x16x128xf32, #tpu.memory_space<vmem>>, vector<256x16x128xf32>
    %get3A_52 = arith.constant 0 : index
    %get3A_53 = arith.constant 0 : index
    %get3A_54 = vector.load %arg9[%get3A_52, %get3A_53] : memref<128x64xf32, #tpu.memory_space<vmem>>, vector<128x64xf32>
    %dot_general3A = arith.constant dense<0.000000e+00> : vector<256x16x128xf32>
    %dot_general3A_55 = tpu.matmul %max3A_47, %get3A_54, %dot_general3A {dimension_numbers = #tpu.dot_dimension_numbers<[2], [1], [0, 1], [0], [0, 0, 0, 1, 1, 0], [], []>, precision = #tpu.contract_precision<fp32>, transpose_lhs_hint = false} : vector<256x16x64xf32>, vector<128x64xf32>, vector<256x16x128xf32> -> vector<256x16x128xf32>
    %add3A_56 = arith.addf %get3A_51, %dot_general3A_55 : vector<256x16x128xf32>
    %get3A_57 = arith.constant 0 : index
    %get3A_58 = arith.constant 0 : index
    %get3A_59 = vector.load %arg10[%get3A_57, %get3A_58] : memref<1x128xf32, #tpu.memory_space<vmem>>, vector<1x128xf32>
    %reduce_sum3A = arith.constant dense<0.000000e+00> : vector<16x128xf32>
    %reduce_sum3A_60 = vector.multi_reduction <add>, %add3A_56, %reduce_sum3A [0] : vector<256x16x128xf32> to vector<16x128xf32>
    %reduce_sum3A_61 = arith.constant dense<0.000000e+00> : vector<128xf32>
    %reduce_sum3A_62 = vector.multi_reduction <add>, %reduce_sum3A_60, %reduce_sum3A_61 [0] : vector<16x128xf32> to vector<128xf32>
    %broadcast_in_dim3A_63 = vector.shape_cast %reduce_sum3A_62 : vector<128xf32> to vector<1x128xf32>
    %add3A_64 = arith.addf %get3A_59, %broadcast_in_dim3A_63 : vector<1x128xf32>
    %swap3A = arith.constant 0 : index
    %swap3A_65 = arith.constant 0 : index
    %swap3A_66 = vector.load %arg10[%swap3A, %swap3A_65] : memref<1x128xf32, #tpu.memory_space<vmem>>, vector<1x128xf32>
    tpu.vector_store %arg10[%swap3A, %swap3A_65], %add3A_64 {strides = array<i32>} : memref<1x128xf32, #tpu.memory_space<vmem>>, vector<1x128xf32>,
    %get3A_67 = arith.constant 0 : index
    %get3A_68 = arith.constant 0 : index
    %get3A_69 = vector.load %arg11[%get3A_67, %get3A_68] : memref<1x128xf32, #tpu.memory_space<vmem>>, vector<1x128xf32>
    %mul3A_70 = arith.mulf %add3A_56, %add3A_56 : vector<256x16x128xf32>
    %reduce_sum3A_71 = arith.constant dense<0.000000e+00> : vector<16x128xf32>
    %reduce_sum3A_72 = vector.multi_reduction <add>, %mul3A_70, %reduce_sum3A_71 [0] : vector<256x16x128xf32> to vector<16x128xf32>
    %reduce_sum3A_73 = arith.constant dense<0.000000e+00> : vector<128xf32>
    %reduce_sum3A_74 = vector.multi_reduction <add>, %reduce_sum3A_72, %reduce_sum3A_73 [0] : vector<16x128xf32> to vector<128xf32>
    %broadcast_in_dim3A_75 = vector.shape_cast %reduce_sum3A_74 : vector<128xf32> to vector<1x128xf32>
    %add3A_76 = arith.addf %get3A_69, %broadcast_in_dim3A_75 : vector<1x128xf32>
    %swap3A_77 = arith.constant 0 : index
    %swap3A_78 = arith.constant 0 : index
    %swap3A_79 = vector.load %arg11[%swap3A_77, %swap3A_78] : memref<1x128xf32, #tpu.memory_space<vmem>>, vector<1x128xf32>
    tpu.vector_store %arg11[%swap3A_77, %swap3A_78], %add3A_76 {strides = array<i32>} : memref<1x128xf32, #tpu.memory_space<vmem>>, vector<1x128xf32>,
    return
  }
  func.func @transform_0(%arg0: i32) -> (i32, i32, i32) {
    %c0_i32 = arith.constant 0 : i32
    %c0_i32_0 = arith.constant 0 : i32
    %c0_i32_1 = arith.constant 0 : i32
    return %arg0, %c0_i32, %c0_i32_0 : i32, i32, i32
  }
  func.func @transform_1(%arg0: i32) -> (i32, i32, i32) {
    %c0_i32 = arith.constant 0 : i32
    %c0_i32_0 = arith.constant 0 : i32
    %c0_i32_1 = arith.constant 0 : i32
    return %arg0, %c0_i32, %c0_i32_0 : i32, i32, i32
  }
  func.func @transform_2(%arg0: i32) -> (i32, i32, i32) {
    %c0_i32 = arith.constant 0 : i32
    %c0_i32_0 = arith.constant 0 : i32
    %c0_i32_1 = arith.constant 0 : i32
    return %arg0, %c0_i32, %c0_i32_0 : i32, i32, i32
  }
  func.func @transform_3(%arg0: i32) -> (i32, i32, i32) {
    %c0_i32 = arith.constant 0 : i32
    %c0_i32_0 = arith.constant 0 : i32
    %c0_i32_1 = arith.constant 0 : i32
    %c0_i32_2 = arith.constant 0 : i32
    return %c0_i32, %c0_i32_0, %c0_i32_1 : i32, i32, i32
  }
  func.func @transform_4(%arg0: i32) -> (i32, i32, i32) {
    %c0_i32 = arith.constant 0 : i32
    %c0_i32_0 = arith.constant 0 : i32
    %c0_i32_1 = arith.constant 0 : i32
    %c0_i32_2 = arith.constant 0 : i32
    return %c0_i32, %c0_i32_0, %c0_i32_1 : i32, i32, i32
  }
  func.func @transform_5(%arg0: i32) -> (i32, i32, i32) {
    %c0_i32 = arith.constant 0 : i32
    %c0_i32_0 = arith.constant 0 : i32
    %c0_i32_1 = arith.constant 0 : i32
    %c0_i32_2 = arith.constant 0 : i32
    return %c0_i32, %c0_i32_0, %c0_i32_1 : i32, i32, i32
  }
  func.func @transform_6(%arg0: i32) -> (i32, i32) {
    %c0_i32 = arith.constant 0 : i32
    %c0_i32_0 = arith.constant 0 : i32
    %c0_i32_1 = arith.constant 0 : i32
    return %c0_i32, %c0_i32_0 : i32, i32
  }
  func.func @transform_7(%arg0: i32) -> (i32, i32) {
    %c0_i32 = arith.constant 0 : i32
    %c0_i32_0 = arith.constant 0 : i32
    %c0_i32_1 = arith.constant 0 : i32
    return %c0_i32, %c0_i32_0 : i32, i32
  }
  func.func @transform_8(%arg0: i32) -> (i32, i32) {
    %c0_i32 = arith.constant 0 : i32
    %c0_i32_0 = arith.constant 0 : i32
    %c0_i32_1 = arith.constant 0 : i32
    return %c0_i32, %c0_i32_0 : i32, i32
  }
  func.func @transform_9(%arg0: i32) -> (i32, i32) {
    %c0_i32 = arith.constant 0 : i32
    %c0_i32_0 = arith.constant 0 : i32
    %c0_i32_1 = arith.constant 0 : i32
    return %c0_i32, %c0_i32_0 : i32, i32
  }
  func.func @transform_10(%arg0: i32) -> (i32, i32) {
    %c0_i32 = arith.constant 0 : i32
    %c0_i32_0 = arith.constant 0 : i32
    %c0_i32_1 = arith.constant 0 : i32
    return %c0_i32, %c0_i32_0 : i32, i32
  }
}

module attributes {stable_mosaic.version = 14 : i64} {
  func.func @_final_body(%arg0: i32, %arg1: memref<256x16x128xf32, #tpu.memory_space<vmem>>, %arg2: memref<256x16x128xf32, #tpu.memory_space<vmem>>, %arg3: memref<256x1x128xf32, #tpu.memory_space<vmem>>, %arg4: memref<256x128xf32, #tpu.memory_space<vmem>>, %arg5: memref<1x1x64xf32, #tpu.memory_space<vmem>>, %arg6: memref<1x1x64xf32, #tpu.memory_space<vmem>>, %arg7: memref<1x1x64xf32, #tpu.memory_space<vmem>>, %arg8: memref<1x1x16xf32, #tpu.memory_space<vmem>>, %arg9: memref<1x16xf32, #tpu.memory_space<vmem>>, %arg10: memref<1x16xf32, #tpu.memory_space<vmem>>, %arg11: memref<1x128xf32, #tpu.memory_space<vmem>>, %arg12: memref<1x128xf32, #tpu.memory_space<vmem>>, %arg13: memref<1x64xf32, #tpu.memory_space<vmem>>, %arg14: memref<1x64xf32, #tpu.memory_space<vmem>>, %arg15: memref<1x16xf32, #tpu.memory_space<vmem>>, %arg16: memref<1x16xf32, #tpu.memory_space<vmem>>, %arg17: memref<1x128xf32, #tpu.memory_space<vmem>>, %arg18: memref<1x128xf32, #tpu.memory_space<vmem>>, %arg19: memref<128x64xf32, #tpu.memory_space<vmem>>, %arg20: memref<256x128xf32, #tpu.memory_space<vmem>>) attributes {dimension_semantics = [#tpu.dimension_semantics<arbitrary>], iteration_bounds = array<i64: 64>, scalar_prefetch = 0 : i64, scratch_operands = 0 : i64, tpu.core_type = #tpu.core_type<tc>, window_params = [{transform_indices = @transform_0, window_bounds = array<i64: 256, 16, 128>}, {transform_indices = @transform_1, window_bounds = array<i64: 256, 16, 128>}, {transform_indices = @transform_2, window_bounds = array<i64: 256, 1, 128>}, {transform_indices = @transform_3, window_bounds = array<i64: 256, 128>}, {pipeline_mode = #tpu.pipeline_mode<synchronous>, transform_indices = @transform_4, window_bounds = array<i64: 1, 1, 64>}, {pipeline_mode = #tpu.pipeline_mode<synchronous>, transform_indices = @transform_5, window_bounds = array<i64: 1, 1, 64>}, {pipeline_mode = #tpu.pipeline_mode<synchronous>, transform_indices = @transform_6, window_bounds = array<i64: 1, 1, 64>}, {pipeline_mode = #tpu.pipeline_mode<synchronous>, transform_indices = @transform_7, window_bounds = array<i64: 1, 1, 16>}, {pipeline_mode = #tpu.pipeline_mode<synchronous>, transform_indices = @transform_8, window_bounds = array<i64: 1, 16>}, {pipeline_mode = #tpu.pipeline_mode<synchronous>, transform_indices = @transform_9, window_bounds = array<i64: 1, 16>}, {pipeline_mode = #tpu.pipeline_mode<synchronous>, transform_indices = @transform_10, window_bounds = array<i64: 1, 128>}, {pipeline_mode = #tpu.pipeline_mode<synchronous>, transform_indices = @transform_11, window_bounds = array<i64: 1, 128>}, {pipeline_mode = #tpu.pipeline_mode<synchronous>, transform_indices = @transform_12, window_bounds = array<i64: 1, 64>}, {pipeline_mode = #tpu.pipeline_mode<synchronous>, transform_indices = @transform_13, window_bounds = array<i64: 1, 64>}, {pipeline_mode = #tpu.pipeline_mode<synchronous>, transform_indices = @transform_14, window_bounds = array<i64: 1, 16>}, {pipeline_mode = #tpu.pipeline_mode<synchronous>, transform_indices = @transform_15, window_bounds = array<i64: 1, 16>}, {pipeline_mode = #tpu.pipeline_mode<synchronous>, transform_indices = @transform_16, window_bounds = array<i64: 1, 128>}, {pipeline_mode = #tpu.pipeline_mode<synchronous>, transform_indices = @transform_17, window_bounds = array<i64: 1, 128>}, {pipeline_mode = #tpu.pipeline_mode<synchronous>, transform_indices = @transform_18, window_bounds = array<i64: 128, 64>}, {transform_indices = @transform_19, window_bounds = array<i64: 256, 128>}]} {
    %get3A = arith.constant 0 : index
    %get3A_0 = arith.constant 0 : index
    %get3A_1 = vector.load %arg13[%get3A, %get3A_0] : memref<1x64xf32, #tpu.memory_space<vmem>>, vector<1x64xf32>
    %broadcast_in_dim3A = vector.shape_cast %get3A_1 : vector<1x64xf32> to vector<1x1x64xf32>
    %get3A_2 = arith.constant 0 : index
    %get3A_3 = arith.constant 0 : index
    %get3A_4 = vector.load %arg14[%get3A_2, %get3A_3] : memref<1x64xf32, #tpu.memory_space<vmem>>, vector<1x64xf32>
    %broadcast_in_dim3A_5 = vector.shape_cast %get3A_4 : vector<1x64xf32> to vector<1x1x64xf32>
    %div3A = arith.constant 2.621440e+05 : f32
    %div3A_6 = vector.broadcast %div3A : f32 to vector<1x1x64xf32>
    %div3A_7 = arith.divf %broadcast_in_dim3A, %div3A_6 : vector<1x1x64xf32>
    %div3A_8 = arith.constant 2.621440e+05 : f32
    %div3A_9 = vector.broadcast %div3A_8 : f32 to vector<1x1x64xf32>
    %div3A_10 = arith.divf %broadcast_in_dim3A_5, %div3A_9 : vector<1x1x64xf32>
    %mul3A = arith.mulf %div3A_7, %div3A_7 : vector<1x1x64xf32>
    %sub3A = arith.subf %div3A_10, %mul3A : vector<1x1x64xf32>
    %get3A_11 = arith.constant 0 : index
    %get3A_12 = arith.constant 0 : index
    %get3A_13 = arith.constant 0 : index
    %get3A_14 = vector.load %arg6[%get3A_11, %get3A_12, %get3A_13] : memref<1x1x64xf32, #tpu.memory_space<vmem>>, vector<1x1x64xf32>
    %add3A = arith.constant 9.99999974E-6 : f32
    %add3A_15 = vector.broadcast %add3A : f32 to vector<1x1x64xf32>
    %add3A_16 = arith.addf %sub3A, %add3A_15 : vector<1x1x64xf32>
    %rsqrt3A = math.rsqrt %add3A_16 : vector<1x1x64xf32>
    %mul3A_17 = arith.mulf %get3A_14, %rsqrt3A : vector<1x1x64xf32>
    %get3A_18 = arith.constant 0 : index
    %get3A_19 = arith.constant 0 : index
    %get3A_20 = arith.constant 0 : index
    %get3A_21 = vector.load %arg7[%get3A_18, %get3A_19, %get3A_20] : memref<1x1x64xf32, #tpu.memory_space<vmem>>, vector<1x1x64xf32>
    %mul3A_22 = arith.mulf %div3A_7, %mul3A_17 : vector<1x1x64xf32>
    %sub3A_23 = arith.subf %get3A_21, %mul3A_22 : vector<1x1x64xf32>
    %get3A_24 = arith.constant 0 : index
    %get3A_25 = arith.constant 0 : index
    %get3A_26 = arith.constant 0 : index
    %get3A_27 = vector.load %arg2[%get3A_24, %get3A_25, %get3A_26] : memref<256x16x128xf32, #tpu.memory_space<vmem>>, vector<256x16x128xf32>
    %get3A_28 = arith.constant 0 : index
    %get3A_29 = arith.constant 0 : index
    %get3A_30 = arith.constant 0 : index
    %get3A_31 = vector.load %arg3[%get3A_28, %get3A_29, %get3A_30] : memref<256x1x128xf32, #tpu.memory_space<vmem>>, vector<256x1x128xf32>
    %sub3A_32 = vector.broadcast %get3A_31 : vector<256x1x128xf32> to vector<256x16x128xf32>
    %sub3A_33 = arith.subf %get3A_27, %sub3A_32 : vector<256x16x128xf32>
    %slice3A = vector.extract_strided_slice %sub3A_33 {offsets = [0, 0, 0], sizes = [256, 16, 64], strides = [1, 1, 1]} : vector<256x16x128xf32> to vector<256x16x64xf32>
    %get3A_34 = arith.constant 0 : index
    %get3A_35 = arith.constant 0 : index
    %get3A_36 = arith.constant 0 : index
    %get3A_37 = vector.load %arg5[%get3A_34, %get3A_35, %get3A_36] : memref<1x1x64xf32, #tpu.memory_space<vmem>>, vector<1x1x64xf32>
    %add3A_38 = vector.broadcast %get3A_37 : vector<1x1x64xf32> to vector<256x16x64xf32>
    %add3A_39 = arith.addf %slice3A, %add3A_38 : vector<256x16x64xf32>
    %mul3A_40 = vector.broadcast %mul3A_17 : vector<1x1x64xf32> to vector<256x16x64xf32>
    %mul3A_41 = arith.mulf %add3A_39, %mul3A_40 : vector<256x16x64xf32>
    %add3A_42 = vector.broadcast %sub3A_23 : vector<1x1x64xf32> to vector<256x16x64xf32>
    %add3A_43 = arith.addf %mul3A_41, %add3A_42 : vector<256x16x64xf32>
    %max3A = arith.constant 0.000000e+00 : f32
    %max3A_44 = vector.broadcast %max3A : f32 to vector<256x16x64xf32>
    %max3A_45 = arith.maximumf %add3A_43, %max3A_44 : vector<256x16x64xf32>
    %get3A_46 = arith.constant 0 : index
    %get3A_47 = arith.constant 0 : index
    %get3A_48 = arith.constant 0 : index
    %get3A_49 = vector.load %arg1[%get3A_46, %get3A_47, %get3A_48] : memref<256x16x128xf32, #tpu.memory_space<vmem>>, vector<256x16x128xf32>
    %get3A_50 = arith.constant 0 : index
    %get3A_51 = arith.constant 0 : index
    %get3A_52 = vector.load %arg19[%get3A_50, %get3A_51] : memref<128x64xf32, #tpu.memory_space<vmem>>, vector<128x64xf32>
    %dot_general3A = arith.constant dense<0.000000e+00> : vector<256x16x128xf32>
    %dot_general3A_53 = tpu.matmul %max3A_45, %get3A_52, %dot_general3A {dimension_numbers = #tpu.dot_dimension_numbers<[2], [1], [0, 1], [0], [0, 0, 0, 1, 1, 0], [], []>, precision = #tpu.contract_precision<fp32>, transpose_lhs_hint = false} : vector<256x16x64xf32>, vector<128x64xf32>, vector<256x16x128xf32> -> vector<256x16x128xf32>
    %add3A_54 = arith.addf %get3A_49, %dot_general3A_53 : vector<256x16x128xf32>
    %get3A_55 = arith.constant 0 : index
    %get3A_56 = arith.constant 0 : index
    %get3A_57 = vector.load %arg17[%get3A_55, %get3A_56] : memref<1x128xf32, #tpu.memory_space<vmem>>, vector<1x128xf32>
    %div3A_58 = arith.constant 2.621440e+05 : f32
    %div3A_59 = vector.broadcast %div3A_58 : f32 to vector<1x128xf32>
    %div3A_60 = arith.divf %get3A_57, %div3A_59 : vector<1x128xf32>
    %get3A_61 = arith.constant 0 : index
    %get3A_62 = arith.constant 0 : index
    %get3A_63 = vector.load %arg18[%get3A_61, %get3A_62] : memref<1x128xf32, #tpu.memory_space<vmem>>, vector<1x128xf32>
    %div3A_64 = arith.constant 2.621440e+05 : f32
    %div3A_65 = vector.broadcast %div3A_64 : f32 to vector<1x128xf32>
    %div3A_66 = arith.divf %get3A_63, %div3A_65 : vector<1x128xf32>
    %mul3A_67 = arith.mulf %div3A_60, %div3A_60 : vector<1x128xf32>
    %sub3A_68 = arith.subf %div3A_66, %mul3A_67 : vector<1x128xf32>
    %get3A_69 = arith.constant 0 : index
    %get3A_70 = arith.constant 0 : index
    %get3A_71 = vector.load %arg11[%get3A_69, %get3A_70] : memref<1x128xf32, #tpu.memory_space<vmem>>, vector<1x128xf32>
    %add3A_72 = arith.constant 9.99999974E-6 : f32
    %add3A_73 = vector.broadcast %add3A_72 : f32 to vector<1x128xf32>
    %add3A_74 = arith.addf %sub3A_68, %add3A_73 : vector<1x128xf32>
    %rsqrt3A_75 = math.rsqrt %add3A_74 : vector<1x128xf32>
    %mul3A_76 = arith.mulf %get3A_71, %rsqrt3A_75 : vector<1x128xf32>
    %get3A_77 = arith.constant 0 : index
    %get3A_78 = arith.constant 0 : index
    %get3A_79 = vector.load %arg12[%get3A_77, %get3A_78] : memref<1x128xf32, #tpu.memory_space<vmem>>, vector<1x128xf32>
    %mul3A_80 = arith.mulf %div3A_60, %mul3A_76 : vector<1x128xf32>
    %sub3A_81 = arith.subf %get3A_79, %mul3A_80 : vector<1x128xf32>
    %broadcast_in_dim3A_82 = vector.shape_cast %mul3A_76 : vector<1x128xf32> to vector<1x1x128xf32>
    %mul3A_83 = vector.broadcast %broadcast_in_dim3A_82 : vector<1x1x128xf32> to vector<256x16x128xf32>
    %mul3A_84 = arith.mulf %add3A_54, %mul3A_83 : vector<256x16x128xf32>
    %broadcast_in_dim3A_85 = vector.shape_cast %sub3A_81 : vector<1x128xf32> to vector<1x1x128xf32>
    %add3A_86 = vector.broadcast %broadcast_in_dim3A_85 : vector<1x1x128xf32> to vector<256x16x128xf32>
    %add3A_87 = arith.addf %mul3A_84, %add3A_86 : vector<256x16x128xf32>
    %max3A_88 = arith.constant 0.000000e+00 : f32
    %max3A_89 = vector.broadcast %max3A_88 : f32 to vector<256x16x128xf32>
    %max3A_90 = arith.maximumf %add3A_87, %max3A_89 : vector<256x16x128xf32>
    %slice3A_91 = vector.extract_strided_slice %sub3A_33 {offsets = [0, 0, 64], sizes = [256, 16, 16], strides = [1, 1, 1]} : vector<256x16x128xf32> to vector<256x16x16xf32>
    %get3A_92 = arith.constant 0 : index
    %get3A_93 = arith.constant 0 : index
    %get3A_94 = arith.constant 0 : index
    %get3A_95 = vector.load %arg8[%get3A_92, %get3A_93, %get3A_94] : memref<1x1x16xf32, #tpu.memory_space<vmem>>, vector<1x1x16xf32>
    %add3A_96 = vector.broadcast %get3A_95 : vector<1x1x16xf32> to vector<256x16x16xf32>
    %add3A_97 = arith.addf %slice3A_91, %add3A_96 : vector<256x16x16xf32>
    %iota3A = tpu.iota {dimensions = array<i32: 0>} : vector<16x16xi32>
    %iota3A_98 = tpu.iota {dimensions = array<i32: 1>} : vector<16x16xi32>
    %eq3A = arith.cmpi eq, %iota3A, %iota3A_98 : vector<16x16xi32>
    %jit3A = arith.constant 1.000000e+00 : f32
    %jit3A_99 = arith.constant 0.000000e+00 : f32
    %broadcast_in_dim3A_100 = vector.broadcast %jit3A : f32 to vector<16x16xf32>
    %broadcast_in_dim3A_101 = vector.broadcast %jit3A_99 : f32 to vector<16x16xf32>
    %select_n3A = arith.select %eq3A, %broadcast_in_dim3A_100, %broadcast_in_dim3A_101 : vector<16x16xi1>, vector<16x16xf32>
    %broadcast_in_dim3A_102 = vector.shape_cast %select_n3A : vector<16x16xf32> to vector<1x16x16xf32>
    %mul3A_103 = vector.broadcast %broadcast_in_dim3A_102 : vector<1x16x16xf32> to vector<256x16x16xf32>
    %mul3A_104 = arith.mulf %add3A_97, %mul3A_103 : vector<256x16x16xf32>
    %reduce_sum3A = arith.constant dense<0.000000e+00> : vector<256x16xf32>
    %reduce_sum3A_105 = vector.multi_reduction <add>, %mul3A_104, %reduce_sum3A [2] : vector<256x16x16xf32> to vector<256x16xf32>
    %get3A_106 = arith.constant 0 : index
    %get3A_107 = arith.constant 0 : index
    %get3A_108 = vector.load %arg15[%get3A_106, %get3A_107] : memref<1x16xf32, #tpu.memory_space<vmem>>, vector<1x16xf32>
    %div3A_109 = arith.constant 2.621440e+05 : f32
    %div3A_110 = vector.broadcast %div3A_109 : f32 to vector<1x16xf32>
    %div3A_111 = arith.divf %get3A_108, %div3A_110 : vector<1x16xf32>
    %get3A_112 = arith.constant 0 : index
    %get3A_113 = arith.constant 0 : index
    %get3A_114 = vector.load %arg16[%get3A_112, %get3A_113] : memref<1x16xf32, #tpu.memory_space<vmem>>, vector<1x16xf32>
    %div3A_115 = arith.constant 2.621440e+05 : f32
    %div3A_116 = vector.broadcast %div3A_115 : f32 to vector<1x16xf32>
    %div3A_117 = arith.divf %get3A_114, %div3A_116 : vector<1x16xf32>
    %mul3A_118 = arith.mulf %div3A_111, %div3A_111 : vector<1x16xf32>
    %sub3A_119 = arith.subf %div3A_117, %mul3A_118 : vector<1x16xf32>
    %get3A_120 = arith.constant 0 : index
    %get3A_121 = arith.constant 0 : index
    %get3A_122 = vector.load %arg9[%get3A_120, %get3A_121] : memref<1x16xf32, #tpu.memory_space<vmem>>, vector<1x16xf32>
    %add3A_123 = arith.constant 9.99999974E-6 : f32
    %add3A_124 = vector.broadcast %add3A_123 : f32 to vector<1x16xf32>
    %add3A_125 = arith.addf %sub3A_119, %add3A_124 : vector<1x16xf32>
    %rsqrt3A_126 = math.rsqrt %add3A_125 : vector<1x16xf32>
    %mul3A_127 = arith.mulf %get3A_122, %rsqrt3A_126 : vector<1x16xf32>
    %get3A_128 = arith.constant 0 : index
    %get3A_129 = arith.constant 0 : index
    %get3A_130 = vector.load %arg10[%get3A_128, %get3A_129] : memref<1x16xf32, #tpu.memory_space<vmem>>, vector<1x16xf32>
    %mul3A_131 = arith.mulf %div3A_111, %mul3A_127 : vector<1x16xf32>
    %sub3A_132 = arith.subf %get3A_130, %mul3A_131 : vector<1x16xf32>
    %mul3A_133 = vector.broadcast %mul3A_127 : vector<1x16xf32> to vector<256x16xf32>
    %mul3A_134 = arith.mulf %reduce_sum3A_105, %mul3A_133 : vector<256x16xf32>
    %add3A_135 = vector.broadcast %sub3A_132 : vector<1x16xf32> to vector<256x16xf32>
    %add3A_136 = arith.addf %mul3A_134, %add3A_135 : vector<256x16xf32>
    %max3A_137 = arith.constant 0.000000e+00 : f32
    %max3A_138 = vector.broadcast %max3A_137 : f32 to vector<256x16xf32>
    %max3A_139 = arith.maximumf %add3A_136, %max3A_138 : vector<256x16xf32>
    %broadcast_in_dim3A_140 = vector.shape_cast %max3A_139 : vector<256x16xf32> to vector<256x16x1xf32>
    %mul3A_141 = vector.broadcast %broadcast_in_dim3A_140 : vector<256x16x1xf32> to vector<256x16x128xf32>
    %mul3A_142 = arith.mulf %max3A_90, %mul3A_141 : vector<256x16x128xf32>
    %reduce_sum3A_143 = arith.constant dense<0.000000e+00> : vector<256x128xf32>
    %reduce_sum3A_144 = vector.multi_reduction <add>, %mul3A_142, %reduce_sum3A_143 [1] : vector<256x16x128xf32> to vector<256x128xf32>
    %get3A_145 = arith.constant 0 : index
    %get3A_146 = arith.constant 0 : index
    %get3A_147 = vector.load %arg4[%get3A_145, %get3A_146] : memref<256x128xf32, #tpu.memory_space<vmem>>, vector<256x128xf32>
    %add3A_148 = arith.addf %reduce_sum3A_144, %get3A_147 : vector<256x128xf32>
    %swap3A = arith.constant 0 : index
    %swap3A_149 = arith.constant 0 : index
    %swap3A_150 = vector.load %arg20[%swap3A, %swap3A_149] : memref<256x128xf32, #tpu.memory_space<vmem>>, vector<256x128xf32>
    tpu.vector_store %arg20[%swap3A, %swap3A_149], %add3A_148 {strides = array<i32>} : memref<256x128xf32, #tpu.memory_space<vmem>>, vector<256x128xf32>,
    return
  }
  func.func @transform_0(%arg0: i32) -> (i32, i32, i32) {
    %c0_i32 = arith.constant 0 : i32
    %c0_i32_0 = arith.constant 0 : i32
    %c0_i32_1 = arith.constant 0 : i32
    return %arg0, %c0_i32, %c0_i32_0 : i32, i32, i32
  }
  func.func @transform_1(%arg0: i32) -> (i32, i32, i32) {
    %c0_i32 = arith.constant 0 : i32
    %c0_i32_0 = arith.constant 0 : i32
    %c0_i32_1 = arith.constant 0 : i32
    return %arg0, %c0_i32, %c0_i32_0 : i32, i32, i32
  }
  func.func @transform_2(%arg0: i32) -> (i32, i32, i32) {
    %c0_i32 = arith.constant 0 : i32
    %c0_i32_0 = arith.constant 0 : i32
    %c0_i32_1 = arith.constant 0 : i32
    return %arg0, %c0_i32, %c0_i32_0 : i32, i32, i32
  }
  func.func @transform_3(%arg0: i32) -> (i32, i32) {
    %c0_i32 = arith.constant 0 : i32
    %c0_i32_0 = arith.constant 0 : i32
    return %arg0, %c0_i32 : i32, i32
  }
  func.func @transform_4(%arg0: i32) -> (i32, i32, i32) {
    %c0_i32 = arith.constant 0 : i32
    %c0_i32_0 = arith.constant 0 : i32
    %c0_i32_1 = arith.constant 0 : i32
    %c0_i32_2 = arith.constant 0 : i32
    return %c0_i32, %c0_i32_0, %c0_i32_1 : i32, i32, i32
  }
  func.func @transform_5(%arg0: i32) -> (i32, i32, i32) {
    %c0_i32 = arith.constant 0 : i32
    %c0_i32_0 = arith.constant 0 : i32
    %c0_i32_1 = arith.constant 0 : i32
    %c0_i32_2 = arith.constant 0 : i32
    return %c0_i32, %c0_i32_0, %c0_i32_1 : i32, i32, i32
  }
  func.func @transform_6(%arg0: i32) -> (i32, i32, i32) {
    %c0_i32 = arith.constant 0 : i32
    %c0_i32_0 = arith.constant 0 : i32
    %c0_i32_1 = arith.constant 0 : i32
    %c0_i32_2 = arith.constant 0 : i32
    return %c0_i32, %c0_i32_0, %c0_i32_1 : i32, i32, i32
  }
  func.func @transform_7(%arg0: i32) -> (i32, i32, i32) {
    %c0_i32 = arith.constant 0 : i32
    %c0_i32_0 = arith.constant 0 : i32
    %c0_i32_1 = arith.constant 0 : i32
    %c0_i32_2 = arith.constant 0 : i32
    return %c0_i32, %c0_i32_0, %c0_i32_1 : i32, i32, i32
  }
  func.func @transform_8(%arg0: i32) -> (i32, i32) {
    %c0_i32 = arith.constant 0 : i32
    %c0_i32_0 = arith.constant 0 : i32
    %c0_i32_1 = arith.constant 0 : i32
    return %c0_i32, %c0_i32_0 : i32, i32
  }
  func.func @transform_9(%arg0: i32) -> (i32, i32) {
    %c0_i32 = arith.constant 0 : i32
    %c0_i32_0 = arith.constant 0 : i32
    %c0_i32_1 = arith.constant 0 : i32
    return %c0_i32, %c0_i32_0 : i32, i32
  }
  func.func @transform_10(%arg0: i32) -> (i32, i32) {
    %c0_i32 = arith.constant 0 : i32
    %c0_i32_0 = arith.constant 0 : i32
    %c0_i32_1 = arith.constant 0 : i32
    return %c0_i32, %c0_i32_0 : i32, i32
  }
  func.func @transform_11(%arg0: i32) -> (i32, i32) {
    %c0_i32 = arith.constant 0 : i32
    %c0_i32_0 = arith.constant 0 : i32
    %c0_i32_1 = arith.constant 0 : i32
    return %c0_i32, %c0_i32_0 : i32, i32
  }
  func.func @transform_12(%arg0: i32) -> (i32, i32) {
    %c0_i32 = arith.constant 0 : i32
    %c0_i32_0 = arith.constant 0 : i32
    %c0_i32_1 = arith.constant 0 : i32
    return %c0_i32, %c0_i32_0 : i32, i32
  }
  func.func @transform_13(%arg0: i32) -> (i32, i32) {
    %c0_i32 = arith.constant 0 : i32
    %c0_i32_0 = arith.constant 0 : i32
    %c0_i32_1 = arith.constant 0 : i32
    return %c0_i32, %c0_i32_0 : i32, i32
  }
  func.func @transform_14(%arg0: i32) -> (i32, i32) {
    %c0_i32 = arith.constant 0 : i32
    %c0_i32_0 = arith.constant 0 : i32
    %c0_i32_1 = arith.constant 0 : i32
    return %c0_i32, %c0_i32_0 : i32, i32
  }
  func.func @transform_15(%arg0: i32) -> (i32, i32) {
    %c0_i32 = arith.constant 0 : i32
    %c0_i32_0 = arith.constant 0 : i32
    %c0_i32_1 = arith.constant 0 : i32
    return %c0_i32, %c0_i32_0 : i32, i32
  }
  func.func @transform_16(%arg0: i32) -> (i32, i32) {
    %c0_i32 = arith.constant 0 : i32
    %c0_i32_0 = arith.constant 0 : i32
    %c0_i32_1 = arith.constant 0 : i32
    return %c0_i32, %c0_i32_0 : i32, i32
  }
  func.func @transform_17(%arg0: i32) -> (i32, i32) {
    %c0_i32 = arith.constant 0 : i32
    %c0_i32_0 = arith.constant 0 : i32
    %c0_i32_1 = arith.constant 0 : i32
    return %c0_i32, %c0_i32_0 : i32, i32
  }
  func.func @transform_18(%arg0: i32) -> (i32, i32) {
    %c0_i32 = arith.constant 0 : i32
    %c0_i32_0 = arith.constant 0 : i32
    %c0_i32_1 = arith.constant 0 : i32
    return %c0_i32, %c0_i32_0 : i32, i32
  }
  func.func @transform_19(%arg0: i32) -> (i32, i32) {
    %c0_i32 = arith.constant 0 : i32
    %c0_i32_0 = arith.constant 0 : i32
    return %arg0, %c0_i32 : i32, i32
  }
}

</mosaic_0001>

<sc_bundles>
// kernel: kernel.8.cloned.1.call-start
scs
__scs_entry_jumppad:
0x0: {  	(pc) =	sbr.rel $0x88, $3  }
0x1: {  	(tag) =	ssettag $0x0;
	lr =	simm.s32 $0x1  }
0x2: {  	[smem:$0x3F93] =	sst lr;
	_ =	strace $0xD0000000  }
0x3: {  	_ = 	snop  }
0x4: {  	_ = 	snop  }
0x5: {  	_ = 	snop  }
0x6: {  	_ = 	snop  }
0x7: {  	_ = 	snop  }
__scs_overlays_trampoline_lowered:
0x8: {  	[smem:$0x3FA2] =	sst s0  }
0x9: {  	[smem:$0x3FA3] =	sst s1  }
0xa: {  	[smem:$0x3FA4] =	sst s2  }
0xb: {  	[smem:$0x3FA5] =	sst s3  }
0xc: {  	[smem:$0x3FA6] =	sst s4  }
0xd: {  	[smem:$0x3FA7] =	sst s5  }
0xe: {  	[smem:$0x3FA8] =	sst s6  }
0xf: {  	[smem:$0x3FA9] =	sst s7  }
0x10: {  	[smem:$0x3FAA] =	sst s8  }
0x11: {  	[smem:$0x3FAB] =	sst s9;
	s0 =	simm.s32 @!p0 $0x0  }
0x12: {  	s1 =	sld [smem:$0x3F91];
	s0 =	simm.s32 @p0 $0x1  }
0x13: {  	[smem:$0x3FAC] =	sst s0;
	s0 =	simm.s32 @!p1 $0x0  }
0x14: {  	s2 =	sld [smem:$0x3F90];
	s0 =	simm.s32 @p1 $0x1  }
0x15: {  	[smem:$0x3FAD] =	sst s0;
	s0 =	simm.s32 @!p2 $0x0  }
0x16: {  	s3 =	sld [smem:$0x3FDB];
	s0 =	simm.s32 @p2 $0x1  }
0x17: {  	s4 =	simm.s32 $0x1BF5;
	[smem:$0x3FAF] =	sst s0  }
0x18: {  	s0 =	sld [smem:$0x3F92];
	_ =	swait.ge [sflag:s4], $0x0  }
0x19: {  	s7 =	sld [smem:$0x3F93]  }
0x1a: {  	s8 =	sadd.s32 $0xFFFFE003, lr  }
0x1b: {  	s9 =	sadd.s32 $0xFFFFFEF7, lr;
	s5 =	simm.s32 $0xFFFFFFFF;
	p2 =	slt.u32 s8, $0xFFFFF086  }
0x1c: {  	p1 =	slt.u32 s9, $0xF7A;
	s5 =	simm.s32 @!p2 $0x0  }
0x1d: {  	s5 =	simm.s32 @p1 $0x1;
	p0 =	seq.s32 s7, s2  }
0x1e: {  	s7 =	smul.u32 @!p0 $0xF7A, s2;
	p2 =	seq.s32 @!p0 s5, $0x0  }
0x1f: {  	s9 =	smul.u32 $0xF7A, s1;
	s8 =	simm.s32 @!p0 $0x1BF5;
	p2 =	por !p2, p0  }
0x20: {  	[sflag:s8] =	ssyncset.s32 @!p0 $0xFFFFF086;
	s6 =	sadd.s32 @!p0 s3, s7;
	s7 =	simm.s32 @!p0 $0x108  }
0x21: {  	s3 =	sadd.s32 s3, s9;
	s6 =	sadd.s32 @!p0 $0x88, s6;
	s7 =	simm.s32 @p2 $0x1082  }
0x22: {  	[simem:s7], [sflag:s8] =	dma.local @!p0 [hbm:s6], $0xF7A  }
0x23: {  	s9 =	sor.u32 $0xD0000000, s2;
	s6 =	simm.s32 $0x108;
	_ =	swait.ge @!p0 [sflag:s8], $0x0  }
0x24: {  	s3 =	sadd.s32 $0x88, s3;
	s6 =	simm.s32 @!p1 $0x1082;
	[sflag:s4] =	ssyncset.s32 $0xFFFFF086  }
0x25: {  	[simem:s6], [sflag:s4] =	dma.local [hbm:s3], $0xF7A  }
0x26: {  	[smem:$0x3F93] =	sst s1;
	(tag) =	ssettag s2;
	_ =	strace s9  }
0x27: {  	s1 =	sld [smem:$0x3FA3]  }
0x28: {  	s2 =	sld [smem:$0x3FA4]  }
0x29: {  	s4 =	sld [smem:$0x3FA6]  }
0x2a: {  	p0 =	seq.s32 s5, $0x0;
	s5 =	sld [smem:$0x3FA7]  }
0x2b: {  	s6 =	sld [smem:$0x3FA8]  }
0x2c: {  	s7 =	sld [smem:$0x3FA9]  }
0x2d: {  	s3 =	simm.s32 $0x108;
	s8 =	sld [smem:$0x3FAA]  }
0x2e: {  	s3 =	simm.s32 @!p0 $0x1082;
	s9 =	sld [smem:$0x3FAB]  }
0x2f: {  	lr =	sadd.s32 s0, s3;
	s0 =	sld [smem:$0x3FA2]  }
0x30: {  	s3 =	sld [smem:$0x3FA5]  }
0x31: {  	[smem:$0x3FAE] =	sst s10  }
0x32: {  	s10 =	sld [smem:$0x3FAC];
	_ =	sdelay $0x3  }
0x33: {  	p0 =	seq.s32 s10, $0x1;
	s10 =	sld [smem:$0x3FAE];
	_ =	sdelay $0x3  }
0x34: {  	[smem:$0x3FAE] =	sst s10  }
0x35: {  	s10 =	sld [smem:$0x3FAD];
	_ =	sdelay $0x3  }
0x36: {  	p1 =	seq.s32 s10, $0x1;
	s10 =	sld [smem:$0x3FAE];
	_ =	sdelay $0x3  }
0x37: {  	[smem:$0x3FAE] =	sst s10  }
0x38: {  	s10 =	sld [smem:$0x3FAF]  }
0x39: {  	_ = 	snop;
	(pc) =	sbr.ind lr, $3  }
0x3a: {  	_ = 	snop  }
0x3b: {  	_ = 	snop  }
0x3c: {  	p2 =	seq.s32 s10, $0x1;
	s10 =	sld [smem:$0x3FAE]  }
0x3d: {  	_ =	shalt  }
0x3e: {  	_ =	shalt  }
0x3f: {  	_ =	shalt  }
0x40: {  	_ =	shalt  }
0x41: {  	_ =	shalt  }
0x42: {  	_ =	shalt  }
0x43: {  	_ =	shalt  }
0x44: {  	_ =	shalt  }
0x45: {  	_ =	shalt  }
0x46: {  	_ =	shalt  }
0x47: {  	_ =	shalt  }
0x48: {  	_ =	shalt  }
0x49: {  	_ =	shalt  }
0x4a: {  	_ =	shalt  }
0x4b: {  	_ =	shalt  }
0x4c: {  	_ =	shalt  }
0x4d: {  	_ =	shalt  }
0x4e: {  	_ =	shalt  }
0x4f: {  	_ =	shalt  }
0x50: {  	_ =	shalt  }
0x51: {  	_ =	shalt  }
0x52: {  	_ =	shalt  }
0x53: {  	_ =	shalt  }
0x54: {  	_ =	shalt  }
0x55: {  	_ =	shalt  }
0x56: {  	_ =	shalt  }
0x57: {  	_ =	shalt  }
0x58: {  	_ =	shalt  }
0x59: {  	_ =	shalt  }
0x5a: {  	_ =	shalt  }
0x5b: {  	_ =	shalt  }
0x5c: {  	_ =	shalt  }
0x5d: {  	_ =	shalt  }
0x5e: {  	_ =	shalt  }
0x5f: {  	_ =	shalt  }
0x60: {  	_ =	shalt  }
0x61: {  	_ =	shalt  }
0x62: {  	_ =	shalt  }
0x63: {  	_ =	shalt  }
0x64: {  	_ =	shalt  }
0x65: {  	_ =	shalt  }
0x66: {  	_ =	shalt  }
0x67: {  	_ =	shalt  }
0x68: {  	_ =	shalt  }
0x69: {  	_ =	shalt  }
0x6a: {  	_ =	shalt  }
0x6b: {  	_ =	shalt  }
0x6c: {  	_ =	shalt  }
0x6d: {  	_ =	shalt  }
0x6e: {  	_ =	shalt  }
0x6f: {  	_ =	shalt  }
0x70: {  	_ =	shalt  }
0x71: {  	_ =	shalt  }
0x72: {  	_ =	shalt  }
0x73: {  	_ =	shalt  }
0x74: {  	_ =	shalt  }
0x75: {  	_ =	shalt  }
0x76: {  	_ =	shalt  }
0x77: {  	_ =	shalt  }
0x78: {  	_ =	shalt  }
0x79: {  	_ =	shalt  }
0x7a: {  	_ =	shalt  }
0x7b: {  	_ =	shalt  }
0x7c: {  	_ =	shalt  }
0x7d: {  	_ =	shalt  }
0x7e: {  	_ =	shalt  }
0x7f: {  	_ =	shalt  }
0x80: {  	_ =	shalt  }
0x81: {  	_ =	shalt  }
0x82: {  	_ =	shalt  }
0x83: {  	_ =	shalt  }
0x84: {  	_ =	shalt  }
0x85: {  	_ =	shalt  }
0x86: {  	_ =	shalt  }
0x87: {  	_ =	shalt  }
.Lfunc_end0:
.L_simem_size_0:
called_computation_lowered:
.L_overlay_start_0:
0x88: {  	s2 =	sld [smem:$0x3FD9]  }
0x89: {  	s3 =	sld [smem:$0x3FFE];
	_ =	sdelay $0x1  }
0x8a: {  	s1 =	srdreg.scid  }
0x8b: {  	s0 =	sand.u32 $0x1, s1  }
0x8c: {  	s17 =	sshll.u32 s0, $0xA;
	s2 =	sadd.s32 s3, s2  }
0x8d: {  	s2 =	sadd.s32 s2, s17  }
0x8e: {  	[smem:$0x3FBA] =	sst s2  }
0x8f: {  	_ = 	snop  }
0x90: {  	s2 =	sld [smem:$0x3FD0];
	(tm) =	ssettm $0x1  }
0x91: {  	s18 =	sld [smem:$0x3FFB];
	_ =	sdelay $0x3  }
0x92: {  	_ =	strace s18  }
0x93: {  	s3 =	sld [smem:$0x3FFC];
	_ =	sdelay $0x3  }
0x94: {  	_ =	strace s3  }
0x95: {  	s3 =	sld [smem:$0x3FFD];
	_ =	sdelay $0x3  }
0x96: {  	_ =	strace s3  }
0x97: {  	_ =	strace $0x8FFFFFFF  }
0x98: {  	s19 =	sld [smem:$0x3FDB];
	_ =	sdelay $0x1  }
0x99: {  	s4 =	simm.s32 $_scs_section_size  }
0x9a: {  	s5 =	simm.s32 $_size__tile_overlayer_lowered;
	s6 =	simm.s32 $_tile_overlayer_lowered  }
0x9b: {  	s22 =	simm.s32 $0x1BFF;
	s21 =	sshll.u32 s6, $0x1;
	s3 =	sadd.s32 s4, s19  }
0x9c: {  	s7 =	simm.s32 $0x0;
	s20 =	sshll.u32 s5, $0x1;
	s5 =	sadd.s32 s21, s3  }
0x9d: {  	[timem:s7], [sflag:s22] =	dma.local [hbm:s5], s20  }
0x9e: {  	_ =	swait.ge [sflag:s22], s20  }
0x9f: {  	s4 =	ssub.s32 $0x0, s20;
	[sflag:s22] =	ssyncset.done $0x0  }
0xa0: {  	[sflag:s22] =	ssyncadd.s32 s4;
	_ =	sdelay $0x1  }
0xa1: {  	s23 =	simm.s32 $0x1B8B  }
0xa2: {  	_ =	swait.ge [sflag:s23], $0x1  }
0xa3: {  	[sflag:s23] =	ssyncset.done $0x0  }
0xa4: {  	s25 =	simm.s32 $0x1B8E;
	s24 =	sld [smem:$0x3FFE];
	[sflag:s23] =	ssyncadd.s32 $0xFFFFFFFF  }
0xa5: {  	s26 =	simm.s32 $execute0_lowered;
	[smem:$0x3FD2] =	sst s25  }
0xa6: {  	s5 =	sshll.u32 s26, $0x1;
	_ =	strace $0x80000046;
	[dreg:$0x1] =	wrdreg $0xFFFFFFFF  }
0xa7: {  	s28 =	simm.s32 $_size_execute0_lowered;
	s3 =	sadd.s32 s3, s5;
	[dreg:$0x0] =	wrdreg $0x0  }
0xa8: {  	s5 =	sshll.u32 s28, $0x1;
	[dreg:$0x2] =	wrdreg s3  }
0xa9: {  	[dreg:$0x3] =	wrdreg s5  }
0xaa: {  	[dreg:$0x4] =	wrdreg $0xC0  }
0xab: {  	_ =	task [dreg:s7], $0x5FFFF  }
0xac: {  	[dreg:$0x1] =	wrdreg $0xFFFFFFFF  }
0xad: {  	[dreg:$0x0] =	wrdreg $0x60  }
0xae: {  	[dreg:$0x2] =	wrdreg s2  }
0xaf: {  	[dreg:$0x3] =	wrdreg s24  }
0xb0: {  	[dreg:$0x4] =	wrdreg $0x9  }
0xb1: {  	_ =	task.clear_ibuf [dreg:s7], $0x5FFFF;
	_ =	strace $0x90000046  }
0xb2: {  	s29 =	simm.s32 $0x9;
	_ =	strace $0x80000048  }
0xb3: {  	_ =	swait.ge [sflag:s29], $0x1  }
0xb4: {  	[sflag:s29] =	ssyncadd.s32 $0xFFFFFFFF  }
0xb5: {  	_ =	strace $0x90000048  }
0xb6: {  	_ =	sfence  }
0xb7: {  	s30 =	sld [smem:$0x0];
	_ =	sdelay $0x2  }
0xb8: {  	s31 =	sshll.u32 s1, $0xD;
	s1 =	sshrl.u32 s1, $0x2  }
0xb9: {  	s3 =	sand.u32 $0x4000, s31;
	s1 =	sadd.s32 s1, s30  }
0xba: {  	s0 =	sor.u32 s3, s0;
	s1 =	sshll.u32 s1, $0x11  }
0xbb: {  	s0 =	sor.u32 s1, s0  }
0xbc: {  	s0 =	sadd.s32 $0x8F2B, s0  }
0xbd: {  	[sflag:s0] =	ssyncadd.remote.s32 $0x1  }
0xbe: {  	_ =	sfence.sel $0xFFFF  }
0xbf: {  	[dreg:$0x0] =	wrdreg $0xFFFFFFFF;
	(pc) =	sbr.abs _section_cstart, $3  }
0xc0: {  	[dreg:$0x1] =	wrdreg $0xFFFFFFFF  }
0xc1: {  	_ =	task.clear_ibuf [dreg:s7], $0x2FFFF;
	_ =	strace $0x9FFFFFFF  }
0xc2: {  	(tm) =	ssettm $0x7FFFFFFF  }
0xc3: {  	_ =	shalt  }
tec
execute0_lowered:
.L_overlay_start_1:
0x0: {  	(tag) =	ssettag $0x1  }
0x1: {  	s1 =	rddreg [dreg:$0x0]  }
0x2: {  	s5 =	rddreg [dreg:$0x1]  }
0x3: {  	s0 =	rddreg [dreg:$0x2];
	s3 =	simm.s32 $0x0;
	s4 =	srdreg.scid  }
0x4: {  	s2 =	stileid.u32;
	s11 =	simm.s32 $0x80;
	s12 =	simm.s32 $0x4080  }
0x5: {  	s13 =	simm.s32 $0x1;
	s14 =	simm.s32 $0x0;
	[smem:$0x7FF] =	sst s3  }
0x6: {  	s9 =	sand.u32 $0x1, s4;
	s29 =	sshll.u32 s2, $0x12;
	s4 =	sadd.s32 $0xB200, s5  }
0x7: {  	s31 =	sshll.u32 s2, $0xB;
	_ =	strace $0x80000047;
	s6 =	ssub.s32 $0x2, s9  }
0x8: {  	s7 =	sadd.s32 s29, s5;
	s10 =	sshll.u32 s9, $0x11;
	s5 =	sadd.s32 $0x3200, s5  }
0x9: {  	s9 =	sshll.u32 s9, $0xA;
	s8 =	sshrl.u32 s6, $0x1;
	s30 =	sadd.s32 s10, s7  }
0xa: {  	s9 =	sor.u32 s9, s31;
	s10 =	simm.s32 $0x2;
	s6 =	ssub.s32 s6, s8  }
0xb: {  	s7 =	sadd.s32 $0x44B200, s30;
	s8 =	sadd.s32 $0x4B200, s30;
	s6 =	smax.u32 s6, $0x1  }
.LBB2_1:
0xc: {  	s15 =	sadd.s32 $0x0, s9;
	s16 =	sand.u32 $0x70, s3  }
0xd: {  	s15 =	sand.u32 $0x7F80, s15;
	s16 =	sadd.s32 s5, s16  }
0xe: {  	s15 =	sadd.s32 s15, s16  }
0xf: {  	[tilespmem:s3], [sflag:$0x2] =	stream.linear.gather [hbm4b:s15+s3], $0x80, $0x38;
	[tilespmem:$0x8080] =	vst v63  }
0x10: {  	_ =	swait.ge [sflag:s10], $0x80  }
0x11: {  	[sflag:s10] =	ssyncset.done $0x0  }
0x12: {  	[sflag:s10] =	ssyncadd.s32 $0xFFFFFF80  }
0x13: {  	[tilespmem:s11], [sflag:$0x1] =	stream.indirect.gather [hbm4b:s1+s11], $0x80, s3, s11, $0xb8;
	[tilespmem:$0x8080] =	vst v63  }
0x14: {  	_ = 	snop  }
0x15: {  	[tilespmem:s12], [sflag:$0x1] =	stream.indirect.gather [hbm4b:s4+s11], $0x80, s3, s11, $0xb8;
	[tilespmem:$0x8080] =	vst v63  }
0x16: {  	_ =	swait.ge [sflag:s13], $0x4000  }
0x17: {  	[sflag:s13] =	ssyncset.done $0x0  }
0x18: {  	[sflag:s13] =	ssyncadd.s32 $0xFFFFC000  }
0x19: {  	_ =	swait.ge [sflag:s13], $0x4000  }
0x1a: {  	[sflag:s13] =	ssyncset.done $0x0  }
0x1b: {  	[sflag:s13] =	ssyncadd.s32 $0xFFFFC000  }
0x1c: {  	[hbm4b:s8+s3] =	stream.linear.scatter [tilespmem:s11], [sflag:$0x2], $0x4000, $0x38;
	[tilespmem:$0x8080] =	vst v63  }
0x1d: {  	_ =	swait.ge [sflag:s10], $0x4000  }
0x1e: {  	s18 =	simm.s32 $0x10;
	s17 =	simm.s32 $0x20;
	[sflag:s10] =	ssyncset.done $0x0  }
0x1f: {  	s19 =	sadd.s32 $0x10, s9;
	s20 =	sand.u32 $0x70, s18;
	[sflag:s10] =	ssyncadd.s32 $0xFFFFC000  }
0x20: {  	[hbm4b:s7+s3] =	stream.linear.scatter [tilespmem:s12], [sflag:$0x2], $0x4000, $0x38;
	[tilespmem:$0x8080] =	vst v63  }
0x21: {  	s18 =	sand.u32 $0x7F80, s19;
	s16 =	sadd.s32 $0x800, s8;
	_ =	swait.ge [sflag:s10], $0x4000  }
0x22: {  	s19 =	sadd.s32 s5, s20;
	s15 =	sadd.s32 $0x800, s7;
	[sflag:s10] =	ssyncset.done $0x0  }
.LBB2_2:
0x23: {  	s18 =	sadd.s32 s18, s19;
	[sflag:s10] =	ssyncadd.s32 $0xFFFFC000  }
0x24: {  	s19 =	smov.u32 s17;
	s20 =	sadd.s32 $0x10, s17;
	s21 =	smov.u32 s15  }
0x25: {  	[tilespmem:s3], [sflag:$0x2] =	stream.linear.gather [hbm4b:s18+s3], $0x80, $0x38;
	[tilespmem:$0x8080] =	vst v63  }
0x26: {  	p0 =	sne.s32 s17, $0x3F0;
	_ =	swait.ge [sflag:s10], $0x80  }
0x27: {  	[sflag:s10] =	ssyncset.done $0x0  }
0x28: {  	[sflag:s10] =	ssyncadd.s32 $0xFFFFFF80  }
0x29: {  	[tilespmem:s11], [sflag:$0x1] =	stream.indirect.gather [hbm4b:s1+s11], $0x80, s3, s11, $0xb8;
	[tilespmem:$0x8080] =	vst v63  }
0x2a: {  	_ = 	snop  }
0x2b: {  	[tilespmem:s12], [sflag:$0x1] =	stream.indirect.gather [hbm4b:s4+s11], $0x80, s3, s11, $0xb8;
	[tilespmem:$0x8080] =	vst v63  }
0x2c: {  	_ =	swait.ge [sflag:s13], $0x4000  }
0x2d: {  	[sflag:s13] =	ssyncset.done $0x0  }
0x2e: {  	[sflag:s13] =	ssyncadd.s32 $0xFFFFC000  }
0x2f: {  	_ =	swait.ge [sflag:s13], $0x4000  }
0x30: {  	[sflag:s13] =	ssyncset.done $0x0  }
0x31: {  	[sflag:s13] =	ssyncadd.s32 $0xFFFFC000  }
0x32: {  	[hbm4b:s16+s3] =	stream.linear.scatter [tilespmem:s11], [sflag:$0x2], $0x4000, $0x38;
	[tilespmem:$0x8080] =	vst v63  }
0x33: {  	_ =	swait.ge [sflag:s10], $0x4000  }
.Ltmp0:
0x34: {  	s15 =	sadd.s32 $0x800, s15;
	[sflag:s10] =	ssyncset.done $0x0;
	(pc) =	sbr.rel @p0 .LBB2_2-.Ltmp0, $4  }
0x35: {  	s17 =	sadd.s32 s19, s9;
	s16 =	sadd.s32 $0x800, s16;
	[sflag:s10] =	ssyncadd.s32 $0xFFFFC000  }
0x36: {  	[hbm4b:s21+s3] =	stream.linear.scatter [tilespmem:s12], [sflag:$0x2], $0x4000, $0x38;
	[tilespmem:$0x8080] =	vst v63  }
0x37: {  	s19 =	sand.u32 $0x70, s19;
	s18 =	sand.u32 $0x7F80, s17;
	_ =	swait.ge [sflag:s10], $0x4000  }
0x38: {  	s19 =	sadd.s32 s5, s19;
	s17 =	smov.u32 s20;
	[sflag:s10] =	ssyncset.done $0x0  }
0x39: {  	s17 =	sadd.s32 s18, s19;
	[sflag:s10] =	ssyncadd.s32 $0xFFFFC000  }
0x3a: {  	[tilespmem:s3], [sflag:$0x2] =	stream.linear.gather [hbm4b:s17+s3], $0x80, $0x38;
	[tilespmem:$0x8080] =	vst v63  }
0x3b: {  	_ =	swait.ge [sflag:s10], $0x80  }
0x3c: {  	[sflag:s10] =	ssyncset.done $0x0  }
0x3d: {  	[sflag:s10] =	ssyncadd.s32 $0xFFFFFF80  }
0x3e: {  	[tilespmem:s11], [sflag:$0x1] =	stream.indirect.gather [hbm4b:s1+s11], $0x80, s3, s11, $0xb8;
	[tilespmem:$0x8080] =	vst v63  }
0x3f: {  	_ = 	snop  }
0x40: {  	[tilespmem:s12], [sflag:$0x1] =	stream.indirect.gather [hbm4b:s4+s11], $0x80, s3, s11, $0xb8;
	[tilespmem:$0x8080] =	vst v63  }
0x41: {  	_ =	swait.ge [sflag:s13], $0x4000  }
0x42: {  	[sflag:s13] =	ssyncset.done $0x0  }
0x43: {  	[sflag:s13] =	ssyncadd.s32 $0xFFFFC000  }
0x44: {  	_ =	swait.ge [sflag:s13], $0x4000  }
0x45: {  	[sflag:s13] =	ssyncset.done $0x0  }
0x46: {  	[sflag:s13] =	ssyncadd.s32 $0xFFFFC000  }
0x47: {  	[hbm4b:s16+s3] =	stream.linear.scatter [tilespmem:s11], [sflag:$0x2], $0x4000, $0x38;
	[tilespmem:$0x8080] =	vst v63  }
0x48: {  	s14 =	sadd.s32 $0x1, s14;
	_ =	swait.ge [sflag:s10], $0x4000  }
0x49: {  	p0 =	sne.s32 s14, s6;
	[sflag:s10] =	ssyncset.done $0x0  }
.Ltmp1:
0x4a: {  	[sflag:s10] =	ssyncadd.s32 $0xFFFFC000;
	(pc) =	sbr.rel @p0 .LBB2_1-.Ltmp1, $4  }
0x4b: {  	[hbm4b:s15+s3] =	stream.linear.scatter [tilespmem:s12], [sflag:$0x2], $0x4000, $0x38;
	[tilespmem:$0x8080] =	vst v63  }
0x4c: {  	_ =	swait.ge [sflag:s10], $0x4000  }
0x4d: {  	[sflag:s10] =	ssyncset.done $0x0  }
0x4e: {  	[sflag:s10] =	ssyncadd.s32 $0xFFFFC000  }
0x4f: {  	_ =	sfence.sel $0x180000  }
0x50: {  	[bflag:$0x0] =	sbarrier.arrive $0xFFFF  }
0x51: {  	p0 =	sne.s32 s2, $0x0;
	_ =	strace $0x90000047  }
0x52: {  	s0 =	sadd.s32 @!p0 $0x100000, s0;
	[bflag:$0x2] =	sbarrier.arrive $0xFFFF  }
0x53: {  	[sflag:s0] =	ssyncadd.tile.s32 @!p0 $0x1;
	_ =	shalt  }
.Lfunc_end2:
_tile_overlayer_lowered:
.L_overlay_start_2:
0x54: {  	(tag) =	ssettag $0x2  }
0x55: {  	s0 =	rddreg [dreg:$0x0];
	s2 =	stileid.u32  }
0x56: {  	s1 =	rddreg [dreg:$0x1];
	p0 =	sne.s32 s2, $0x0  }
0x57: {  	s3 =	rddreg [dreg:$0x2];
	[bflag:$0x3] =	sbarrier.arrive $0xFFFF;
	s2 =	simm.s32 @!p0 $0x1C02  }
0x58: {  	[timem:s3], [sflag:s2] =	dma.local @!p0 [hbm:s0], s1  }
0x59: {  	s0 =	simm.s32 @!p0 $0x2  }
0x5a: {  	_ =	swait.ge @!p0 [sflag:s0], s1  }
0x5b: {  	s1 =	ssub.s32 @!p0 $0x0, s1;
	[sflag:s0] =	ssyncset.done @!p0 $0x0  }
0x5c: {  	[sflag:s0] =	ssyncadd.s32 @!p0 s1  }
0x5d: {  	[bflag:$0x3] =	sbarrier.arrive $0xFFFF  }
0x5e: {  	_ =	shalt  }

</sc_bundles>
